<compile_context>
chip_gen: v7x
topology: tpu7x:2x2x1
jax: 0.10.2.dev20260603
libtpu: 0.0.44.dev20260713+nightly
codegen_flags: <defaults>
</compile_context>

<pallas_src>
import jax
import jax.numpy as jnp
from jax import lax
from jax.experimental import pallas as pl
from jax.experimental.pallas import tpu as pltpu
from jax.experimental.pallas import tpu_sc as plsc

_EMBED = 32
_NW = 32
_TPW = 200
_BT = 10
_NB = _TPW // _BT


def _emb_body(idx_hbm, table_hbm, out_hbm, idx_v, g_v, t_v, sem_g, sem_o):
    n = idx_hbm.shape[0]
    per_w = n // _NW
    wid = lax.axis_index("s") * 2 + lax.axis_index("c")
    base = wid * per_w

    pltpu.sync_copy(idx_hbm.at[pl.ds(base, per_w)], idx_v)

    br = _BT * 128

    def gather(k, b):
        return pltpu.make_async_copy(
            table_hbm.at[idx_v.at[pl.ds(k * br, br)]], g_v.at[b], sem_g.at[b])

    def wb_copy(beta, te, dst_row):
        return pltpu.make_async_copy(
            t_v.at[beta, pl.ds(te * 8, 8)],
            out_hbm.at[pl.ds(dst_row, 8)], sem_o.at[beta])

    base_iota = lax.iota(jnp.int32, 16)

    gather(0, 0).start()
    gather(1, 1).start()

    def batch(k, carry):
        b = lax.rem(k, 2)
        gather(k, b).wait()

        def sub_tile(u, carry2):
            beta = lax.rem(u, 4)

            @pl.when(k * _BT + u >= 4)
            def _():
                for _ in range(4):
                    wb_copy(beta, 0, 0).wait()

            @plsc.parallel_loop(0, 16 * 16, unroll=16)
            def _(q):
                jg = lax.shift_right_logical(q, 5)
                eh = lax.bitwise_and(lax.shift_right_logical(q, 4), 1)
                d = lax.bitwise_and(q, 15)
                rows_r = base_iota + (u * 128 + 16 * jg)
                diag = lax.bitwise_and(base_iota + d, 15) + eh * 16
                cols_w = base_iota + 16 * jg
                vals = plsc.load_gather(g_v.at[b], [rows_r, diag])
                plsc.store_scatter(t_v.at[beta], [diag, cols_w], vals)

            tau = wid * _TPW + k * _BT + u
            h = tau // 32
            tb = tau - h * 32
            for te in range(4):
                wb_copy(beta, te, ((h * 4 + te) * 32 + tb) * 8).start()
            return carry2

        lax.fori_loop(0, _BT, sub_tile, 0)

        @pl.when(k + 2 < _NB)
        def _():
            gather(k + 2, b).start()

        return carry

    lax.fori_loop(0, _NB, batch, 0)

    for beta in range(4):
        for _ in range(4):
            wb_copy(beta, 0, 0).wait()


def kernel(x_ids, table):
    b, h = x_ids.shape
    n = b * h
    idx = x_ids.T.reshape(n).astype(jnp.int32)
    table_wide = lax.optimization_barrier(
        table.reshape(table.shape[0] * _EMBED // 128, 128))
    table_lin = table_wide.reshape(table.shape[0], _EMBED)
    run = pl.kernel(
        _emb_body,
        mesh=plsc.VectorSubcoreMesh(core_axis_name="c", subcore_axis_name="s"),
        out_type=jax.ShapeDtypeStruct((n * _EMBED // 128, 128), jnp.float32),
        scratch_types=[
            pltpu.VMEM((n // _NW,), jnp.int32),
            pltpu.VMEM((2, _BT * 128, _EMBED), jnp.float32),
            pltpu.VMEM((4, _EMBED, 128), jnp.float32),
            pltpu.SemaphoreType.DMA((2,)),
            pltpu.SemaphoreType.DMA((4,)),
        ],
        compiler_params=pltpu.CompilerParams(
            use_tc_tiling_on_sc=False, needs_layout_passes=False),
    )
    out = run(idx, table_lin)
    out5 = out.reshape(h, 4, b // 128, 8, 128)
    return out5.transpose(2, 4, 0, 1, 3).reshape(b, h, _EMBED)

# --- scband reference (transcript-rebuilt; emitter-appended) ---
"""Pipeline reference for scband-token-embedding-5059471474879 (READ-ONLY COPY).

The authoritative reference and input builder live on the scoring server;
editing this copy changes nothing except your own understanding.
"""

import jax, jax.numpy as jnp
import numpy as np

VOCAB = 1000000
EMBED_DIM = 32
BATCH = 4096
HIST = 200

def setup_inputs(seed: int = 0) -> dict:
    key = jax.random.key(seed)
    k_idx, k_tab = jax.random.split(key)
    x_ids = jax.random.randint(k_idx, (BATCH, HIST), 0, VOCAB, dtype=jnp.int64)
    # flax nn.Embed default init: normal(stddev=1/sqrt(features)) is variance_scaling; use normal scaled
    table = jax.random.normal(k_tab, (VOCAB, EMBED_DIM), dtype=jnp.float32) * (1.0 / np.sqrt(EMBED_DIM))
    return {"x_ids": x_ids, "table": table}

def reference(x_ids, table):
    idx = x_ids.astype(jnp.int32)
    return jnp.take(table, idx, axis=0)

if __name__ == "__main__":
    import jax
    _d = setup_inputs()
    print(jax.jit(kernel)(*tuple(_d.values())))

</pallas_src>

<mosaic_0001>
#map = affine_map<(d0, d1) -> (0)>
#map1 = affine_map<(d0, d1) -> (0, 0)>
module attributes {stable_mosaic.version = 14 : i64} {
  func.func @_emb_body(%arg0: i32, %arg1: i32, %arg2: memref<819200xi32, #tpu.memory_space<hbm>>, %arg3: memref<1000000x32xf32, #tpu.memory_space<hbm>>, %arg4: memref<204800x128xf32, #tpu.memory_space<hbm>>, %arg5: memref<25600xi32, #tpu.memory_space<vmem>>, %arg6: memref<2x1280x32xf32, #tpu.memory_space<vmem>>, %arg7: memref<4x32x128xf32, #tpu.memory_space<vmem>>, %arg8: memref<2x!tpu.dma_semaphore, #tpu.memory_space<semaphore_mem>>, %arg9: memref<4x!tpu.dma_semaphore, #tpu.memory_space<semaphore_mem>>) attributes {dimension_semantics = [#tpu.dimension_semantics<core_parallel>, #tpu.dimension_semantics<subcore_parallel>], iteration_bounds = array<i64: 2, 16>, scalar_prefetch = 0 : i64, scratch_operands = 5 : i64, tpu.core_type = #tpu.core_type<sc_vector_subcore>, window_params = [{transform_indices = #map}, {transform_indices = #map1}, {transform_indices = #map1}]} {
    %mul3A = arith.constant 2 : i32
    %mul3A_0 = arith.muli %arg1, %mul3A : i32
    %add3A = arith.addi %mul3A_0, %arg0 : i32
    %mul3A_1 = arith.constant 25600 : i32
    %mul3A_2 = arith.muli %add3A, %mul3A_1 : i32
    "tpu.region"() ({
      %run_scoped3A = tpu.sem_alloc : memref<!tpu.dma_semaphore, #tpu.memory_space<semaphore_mem>>
      %dma_start3A_320 = tpu.memref_slice %arg2[%mul3A_2] : memref<819200xi32, #tpu.memory_space<hbm>> -> memref<25600xi32, #tpu.memory_space<hbm>>
      %dma_start3A_321 = tpu.memref_slice %arg2[%mul3A_2] : memref<819200xi32, #tpu.memory_space<hbm>> -> memref<25600xi32, #tpu.memory_space<hbm>>
      tpu.enqueue_dma source(%dma_start3A_321 : memref<25600xi32, #tpu.memory_space<hbm>>) target(%arg5 : memref<25600xi32, #tpu.memory_space<vmem>>) target_semaphore(%run_scoped3A : memref<!tpu.dma_semaphore, #tpu.memory_space<semaphore_mem>>)
      %dma_wait3A_322 = tpu.memref_slice %arg2[%mul3A_2] : memref<819200xi32, #tpu.memory_space<hbm>> -> memref<25600xi32, #tpu.memory_space<hbm>>
      %dma_wait3A_323 = tpu.memref_slice %arg2[%mul3A_2] : memref<819200xi32, #tpu.memory_space<hbm>> -> memref<25600xi32, #tpu.memory_space<hbm>>
      tpu.wait_dma2 semaphore(%run_scoped3A : memref<!tpu.dma_semaphore, #tpu.memory_space<semaphore_mem>>) src(%dma_wait3A_323 : memref<25600xi32, #tpu.memory_space<hbm>>) dst(%arg5 : memref<25600xi32, #tpu.memory_space<vmem>>)
      tpu.yield
    }) : () -> ()
    %iota3A = tpu.iota {dimensions = array<i32: 0>} : vector<16xi32>
    %dma_start3A = arith.constant 0 : i32
    %dma_start3A_3 = arith.constant 0 : i32
    %dma_start3A_4 = arith.constant 0 : i32
    %dma_start3A_5 = arith.constant 0 : i32
    %dma_start3A_6 = tpu.memref_slice %arg6[%dma_start3A, %dma_start3A_4, %dma_start3A_5] : memref<2x1280x32xf32, #tpu.memory_space<vmem>> -> memref<1x1280x32xf32, #tpu.memory_space<vmem>>
    %dma_start3A_7 = tpu.memref_squeeze %dma_start3A_6 : memref<1x1280x32xf32, #tpu.memory_space<vmem>> -> memref<1280x32xf32, #tpu.memory_space<vmem>>
    %dma_start3A_8 = arith.constant 0 : i32
    %dma_start3A_9 = tpu.memref_slice %arg5[%dma_start3A_8] : memref<25600xi32, #tpu.memory_space<vmem>> -> memref<1280xi32, #tpu.memory_space<vmem>>
    %dma_start3A_10 = arith.constant 0 : i32
    %dma_start3A_11 = arith.constant 0 : i32
    %dma_start3A_12 = tpu.memref_slice %arg3[%dma_start3A_10, %dma_start3A_11] : memref<1000000x32xf32, #tpu.memory_space<hbm>> -> memref<1000000x32xf32, #tpu.memory_space<hbm>>
    %dma_start3A_13 = tpu.memref_slice %arg8[%dma_start3A_3] : memref<2x!tpu.dma_semaphore, #tpu.memory_space<semaphore_mem>> -> memref<1x!tpu.dma_semaphore, #tpu.memory_space<semaphore_mem>>
    %dma_start3A_14 = tpu.memref_squeeze %dma_start3A_13 : memref<1x!tpu.dma_semaphore, #tpu.memory_space<semaphore_mem>> -> memref<!tpu.dma_semaphore, #tpu.memory_space<semaphore_mem>>
    tpu.enqueue_indirect_dma source(%dma_start3A_12 : memref<1000000x32xf32, #tpu.memory_space<hbm>>) target(%dma_start3A_7 : memref<1280x32xf32, #tpu.memory_space<vmem>>) offsets(%dma_start3A_9 : memref<1280xi32, #tpu.memory_space<vmem>>) semaphore(%dma_start3A_14 : memref<!tpu.dma_semaphore, #tpu.memory_space<semaphore_mem>>)
    %dma_start3A_15 = arith.constant 1 : i32
    %dma_start3A_16 = arith.constant 1 : i32
    %dma_start3A_17 = arith.constant 0 : i32
    %dma_start3A_18 = arith.constant 0 : i32
    %dma_start3A_19 = tpu.memref_slice %arg6[%dma_start3A_15, %dma_start3A_17, %dma_start3A_18] : memref<2x1280x32xf32, #tpu.memory_space<vmem>> -> memref<1x1280x32xf32, #tpu.memory_space<vmem>>
    %dma_start3A_20 = tpu.memref_squeeze %dma_start3A_19 : memref<1x1280x32xf32, #tpu.memory_space<vmem>> -> memref<1280x32xf32, #tpu.memory_space<vmem>>
    %dma_start3A_21 = arith.constant 1280 : i32
    %dma_start3A_22 = tpu.memref_slice %arg5[%dma_start3A_21] : memref<25600xi32, #tpu.memory_space<vmem>> -> memref<1280xi32, #tpu.memory_space<vmem>>
    %dma_start3A_23 = arith.constant 0 : i32
    %dma_start3A_24 = arith.constant 0 : i32
    %dma_start3A_25 = tpu.memref_slice %arg3[%dma_start3A_23, %dma_start3A_24] : memref<1000000x32xf32, #tpu.memory_space<hbm>> -> memref<1000000x32xf32, #tpu.memory_space<hbm>>
    %dma_start3A_26 = tpu.memref_slice %arg8[%dma_start3A_16] : memref<2x!tpu.dma_semaphore, #tpu.memory_space<semaphore_mem>> -> memref<1x!tpu.dma_semaphore, #tpu.memory_space<semaphore_mem>>
    %dma_start3A_27 = tpu.memref_squeeze %dma_start3A_26 : memref<1x!tpu.dma_semaphore, #tpu.memory_space<semaphore_mem>> -> memref<!tpu.dma_semaphore, #tpu.memory_space<semaphore_mem>>
    tpu.enqueue_indirect_dma source(%dma_start3A_25 : memref<1000000x32xf32, #tpu.memory_space<hbm>>) target(%dma_start3A_20 : memref<1280x32xf32, #tpu.memory_space<vmem>>) offsets(%dma_start3A_22 : memref<1280xi32, #tpu.memory_space<vmem>>) semaphore(%dma_start3A_27 : memref<!tpu.dma_semaphore, #tpu.memory_space<semaphore_mem>>)
    %scan3A = arith.constant 0 : i32
    %scan3A_28 = arith.constant 0 : i32
    %scan3A_29 = arith.constant 20 : i32
    %scan3A_30 = arith.addi %scan3A_28, %scan3A_29 : i32
    %scan3A_31 = arith.constant 1 : i32
    scf.for %scan3A_320 = %scan3A_28 to %scan3A_30 step %scan3A_31  : i32 {
      %rem3A = arith.constant 2 : i32
      %rem3A_321 = arith.remsi %scan3A_320, %rem3A : i32
      %mul3A_322 = arith.constant 1280 : i32
      %mul3A_323 = arith.muli %scan3A_320, %mul3A_322 : i32
      %dma_wait3A_324 = arith.constant 0 : i32
      %dma_wait3A_325 = arith.constant 0 : i32
      %dma_wait3A_326 = tpu.memref_slice %arg6[%rem3A_321, %dma_wait3A_324, %dma_wait3A_325] : memref<2x1280x32xf32, #tpu.memory_space<vmem>> -> memref<1x1280x32xf32, #tpu.memory_space<vmem>>
      %dma_wait3A_327 = tpu.memref_squeeze %dma_wait3A_326 : memref<1x1280x32xf32, #tpu.memory_space<vmem>> -> memref<1280x32xf32, #tpu.memory_space<vmem>>
      %dma_wait3A_328 = tpu.memref_slice %arg5[%mul3A_323] : memref<25600xi32, #tpu.memory_space<vmem>> -> memref<1280xi32, #tpu.memory_space<vmem>>
      %dma_wait3A_329 = arith.constant 0 : i32
      %dma_wait3A_330 = arith.constant 0 : i32
      %dma_wait3A_331 = tpu.memref_slice %arg3[%dma_wait3A_329, %dma_wait3A_330] : memref<1000000x32xf32, #tpu.memory_space<hbm>> -> memref<1000000x32xf32, #tpu.memory_space<hbm>>
      %dma_wait3A_332 = tpu.memref_slice %arg8[%rem3A_321] : memref<2x!tpu.dma_semaphore, #tpu.memory_space<semaphore_mem>> -> memref<1x!tpu.dma_semaphore, #tpu.memory_space<semaphore_mem>>
      %dma_wait3A_333 = tpu.memref_squeeze %dma_wait3A_332 : memref<1x!tpu.dma_semaphore, #tpu.memory_space<semaphore_mem>> -> memref<!tpu.dma_semaphore, #tpu.memory_space<semaphore_mem>>
      tpu.wait_indirect_dma semaphore(%dma_wait3A_333 : memref<!tpu.dma_semaphore, #tpu.memory_space<semaphore_mem>>) src(%dma_wait3A_331 : memref<1000000x32xf32, #tpu.memory_space<hbm>>) dst(%dma_wait3A_327 : memref<1280x32xf32, #tpu.memory_space<vmem>>)
      %scan3A_334 = arith.constant 0 : i32
      %scan3A_335 = arith.constant 0 : i32
      %scan3A_336 = arith.constant 10 : i32
      %scan3A_337 = arith.addi %scan3A_335, %scan3A_336 : i32
      %scan3A_338 = arith.constant 1 : i32
      scf.for %scan3A_344 = %scan3A_335 to %scan3A_337 step %scan3A_338  : i32 {
        %rem3A_345 = arith.constant 4 : i32
        %rem3A_346 = arith.remsi %scan3A_344, %rem3A_345 : i32
        %mul3A_347 = arith.constant 10 : i32
        %mul3A_348 = arith.muli %scan3A_320, %mul3A_347 : i32
        %add3A_349 = arith.addi %mul3A_348, %scan3A_344 : i32
        %ge3A = arith.constant 4 : i32
        %ge3A_350 = arith.cmpi sge, %add3A_349, %ge3A : i32
        %convert_element_type3A_351 = arith.extui %ge3A_350 : i1 to i32
        %cond3A_352 = arith.constant 0 : i32
        %cond3A_353 = arith.cmpi ne, %convert_element_type3A_351, %cond3A_352 : i32
        scf.if %cond3A_353 {
          %dma_wait3A_474 = arith.constant 0 : i32
          %dma_wait3A_475 = arith.constant 0 : i32
          %dma_wait3A_476 = tpu.memref_slice %arg7[%rem3A_346, %dma_wait3A_474, %dma_wait3A_475] : memref<4x32x128xf32, #tpu.memory_space<vmem>> -> memref<1x8x128xf32, #tpu.memory_space<vmem>>
          %dma_wait3A_477 = tpu.memref_squeeze %dma_wait3A_476 : memref<1x8x128xf32, #tpu.memory_space<vmem>> -> memref<8x128xf32, #tpu.memory_space<vmem>>
          %dma_wait3A_478 = arith.constant 0 : i32
          %dma_wait3A_479 = arith.constant 0 : i32
          %dma_wait3A_480 = tpu.memref_slice %arg4[%dma_wait3A_478, %dma_wait3A_479] : memref<204800x128xf32, #tpu.memory_space<hbm>> -> memref<8x128xf32, #tpu.memory_space<hbm>>
          %dma_wait3A_481 = tpu.memref_slice %arg9[%rem3A_346] : memref<4x!tpu.dma_semaphore, #tpu.memory_space<semaphore_mem>> -> memref<1x!tpu.dma_semaphore, #tpu.memory_space<semaphore_mem>>
          %dma_wait3A_482 = tpu.memref_squeeze %dma_wait3A_481 : memref<1x!tpu.dma_semaphore, #tpu.memory_space<semaphore_mem>> -> memref<!tpu.dma_semaphore, #tpu.memory_space<semaphore_mem>>
          %dma_wait3A_483 = arith.constant 0 : i32
          %dma_wait3A_484 = arith.constant 0 : i32
          %dma_wait3A_485 = tpu.memref_slice %arg4[%dma_wait3A_483, %dma_wait3A_484] : memref<204800x128xf32, #tpu.memory_space<hbm>> -> memref<8x128xf32, #tpu.memory_space<hbm>>
          %dma_wait3A_486 = arith.constant 0 : i32
          %dma_wait3A_487 = arith.constant 0 : i32
          %dma_wait3A_488 = tpu.memref_slice %arg7[%rem3A_346, %dma_wait3A_486, %dma_wait3A_487] : memref<4x32x128xf32, #tpu.memory_space<vmem>> -> memref<1x8x128xf32, #tpu.memory_space<vmem>>
          %dma_wait3A_489 = tpu.memref_squeeze %dma_wait3A_488 : memref<1x8x128xf32, #tpu.memory_space<vmem>> -> memref<8x128xf32, #tpu.memory_space<vmem>>
          tpu.wait_dma2 semaphore(%dma_wait3A_482 : memref<!tpu.dma_semaphore, #tpu.memory_space<semaphore_mem>>) src(%dma_wait3A_489 : memref<8x128xf32, #tpu.memory_space<vmem>>) dst(%dma_wait3A_485 : memref<8x128xf32, #tpu.memory_space<hbm>>)
          %dma_wait3A_490 = arith.constant 0 : i32
          %dma_wait3A_491 = arith.constant 0 : i32
          %dma_wait3A_492 = tpu.memref_slice %arg7[%rem3A_346, %dma_wait3A_490, %dma_wait3A_491] : memref<4x32x128xf32, #tpu.memory_space<vmem>> -> memref<1x8x128xf32, #tpu.memory_space<vmem>>
          %dma_wait3A_493 = tpu.memref_squeeze %dma_wait3A_492 : memref<1x8x128xf32, #tpu.memory_space<vmem>> -> memref<8x128xf32, #tpu.memory_space<vmem>>
          %dma_wait3A_494 = arith.constant 0 : i32
          %dma_wait3A_495 = arith.constant 0 : i32
          %dma_wait3A_496 = tpu.memref_slice %arg4[%dma_wait3A_494, %dma_wait3A_495] : memref<204800x128xf32, #tpu.memory_space<hbm>> -> memref<8x128xf32, #tpu.memory_space<hbm>>
          %dma_wait3A_497 = tpu.memref_slice %arg9[%rem3A_346] : memref<4x!tpu.dma_semaphore, #tpu.memory_space<semaphore_mem>> -> memref<1x!tpu.dma_semaphore, #tpu.memory_space<semaphore_mem>>
          %dma_wait3A_498 = tpu.memref_squeeze %dma_wait3A_497 : memref<1x!tpu.dma_semaphore, #tpu.memory_space<semaphore_mem>> -> memref<!tpu.dma_semaphore, #tpu.memory_space<semaphore_mem>>
          %dma_wait3A_499 = arith.constant 0 : i32
          %dma_wait3A_500 = arith.constant 0 : i32
          %dma_wait3A_501 = tpu.memref_slice %arg4[%dma_wait3A_499, %dma_wait3A_500] : memref<204800x128xf32, #tpu.memory_space<hbm>> -> memref<8x128xf32, #tpu.memory_space<hbm>>
          %dma_wait3A_502 = arith.constant 0 : i32
          %dma_wait3A_503 = arith.constant 0 : i32
          %dma_wait3A_504 = tpu.memref_slice %arg7[%rem3A_346, %dma_wait3A_502, %dma_wait3A_503] : memref<4x32x128xf32, #tpu.memory_space<vmem>> -> memref<1x8x128xf32, #tpu.memory_space<vmem>>
          %dma_wait3A_505 = tpu.memref_squeeze %dma_wait3A_504 : memref<1x8x128xf32, #tpu.memory_space<vmem>> -> memref<8x128xf32, #tpu.memory_space<vmem>>
          tpu.wait_dma2 semaphore(%dma_wait3A_498 : memref<!tpu.dma_semaphore, #tpu.memory_space<semaphore_mem>>) src(%dma_wait3A_505 : memref<8x128xf32, #tpu.memory_space<vmem>>) dst(%dma_wait3A_501 : memref<8x128xf32, #tpu.memory_space<hbm>>)
          %dma_wait3A_506 = arith.constant 0 : i32
          %dma_wait3A_507 = arith.constant 0 : i32
          %dma_wait3A_508 = tpu.memref_slice %arg7[%rem3A_346, %dma_wait3A_506, %dma_wait3A_507] : memref<4x32x128xf32, #tpu.memory_space<vmem>> -> memref<1x8x128xf32, #tpu.memory_space<vmem>>
          %dma_wait3A_509 = tpu.memref_squeeze %dma_wait3A_508 : memref<1x8x128xf32, #tpu.memory_space<vmem>> -> memref<8x128xf32, #tpu.memory_space<vmem>>
          %dma_wait3A_510 = arith.constant 0 : i32
          %dma_wait3A_511 = arith.constant 0 : i32
          %dma_wait3A_512 = tpu.memref_slice %arg4[%dma_wait3A_510, %dma_wait3A_511] : memref<204800x128xf32, #tpu.memory_space<hbm>> -> memref<8x128xf32, #tpu.memory_space<hbm>>
          %dma_wait3A_513 = tpu.memref_slice %arg9[%rem3A_346] : memref<4x!tpu.dma_semaphore, #tpu.memory_space<semaphore_mem>> -> memref<1x!tpu.dma_semaphore, #tpu.memory_space<semaphore_mem>>
          %dma_wait3A_514 = tpu.memref_squeeze %dma_wait3A_513 : memref<1x!tpu.dma_semaphore, #tpu.memory_space<semaphore_mem>> -> memref<!tpu.dma_semaphore, #tpu.memory_space<semaphore_mem>>
          %dma_wait3A_515 = arith.constant 0 : i32
          %dma_wait3A_516 = arith.constant 0 : i32
          %dma_wait3A_517 = tpu.memref_slice %arg4[%dma_wait3A_515, %dma_wait3A_516] : memref<204800x128xf32, #tpu.memory_space<hbm>> -> memref<8x128xf32, #tpu.memory_space<hbm>>
          %dma_wait3A_518 = arith.constant 0 : i32
          %dma_wait3A_519 = arith.constant 0 : i32
          %dma_wait3A_520 = tpu.memref_slice %arg7[%rem3A_346, %dma_wait3A_518, %dma_wait3A_519] : memref<4x32x128xf32, #tpu.memory_space<vmem>> -> memref<1x8x128xf32, #tpu.memory_space<vmem>>
          %dma_wait3A_521 = tpu.memref_squeeze %dma_wait3A_520 : memref<1x8x128xf32, #tpu.memory_space<vmem>> -> memref<8x128xf32, #tpu.memory_space<vmem>>
          tpu.wait_dma2 semaphore(%dma_wait3A_514 : memref<!tpu.dma_semaphore, #tpu.memory_space<semaphore_mem>>) src(%dma_wait3A_521 : memref<8x128xf32, #tpu.memory_space<vmem>>) dst(%dma_wait3A_517 : memref<8x128xf32, #tpu.memory_space<hbm>>)
          %dma_wait3A_522 = arith.constant 0 : i32
          %dma_wait3A_523 = arith.constant 0 : i32
          %dma_wait3A_524 = tpu.memref_slice %arg7[%rem3A_346, %dma_wait3A_522, %dma_wait3A_523] : memref<4x32x128xf32, #tpu.memory_space<vmem>> -> memref<1x8x128xf32, #tpu.memory_space<vmem>>
          %dma_wait3A_525 = tpu.memref_squeeze %dma_wait3A_524 : memref<1x8x128xf32, #tpu.memory_space<vmem>> -> memref<8x128xf32, #tpu.memory_space<vmem>>
          %dma_wait3A_526 = arith.constant 0 : i32
          %dma_wait3A_527 = arith.constant 0 : i32
          %dma_wait3A_528 = tpu.memref_slice %arg4[%dma_wait3A_526, %dma_wait3A_527] : memref<204800x128xf32, #tpu.memory_space<hbm>> -> memref<8x128xf32, #tpu.memory_space<hbm>>
          %dma_wait3A_529 = tpu.memref_slice %arg9[%rem3A_346] : memref<4x!tpu.dma_semaphore, #tpu.memory_space<semaphore_mem>> -> memref<1x!tpu.dma_semaphore, #tpu.memory_space<semaphore_mem>>
          %dma_wait3A_530 = tpu.memref_squeeze %dma_wait3A_529 : memref<1x!tpu.dma_semaphore, #tpu.memory_space<semaphore_mem>> -> memref<!tpu.dma_semaphore, #tpu.memory_space<semaphore_mem>>
          %dma_wait3A_531 = arith.constant 0 : i32
          %dma_wait3A_532 = arith.constant 0 : i32
          %dma_wait3A_533 = tpu.memref_slice %arg4[%dma_wait3A_531, %dma_wait3A_532] : memref<204800x128xf32, #tpu.memory_space<hbm>> -> memref<8x128xf32, #tpu.memory_space<hbm>>
          %dma_wait3A_534 = arith.constant 0 : i32
          %dma_wait3A_535 = arith.constant 0 : i32
          %dma_wait3A_536 = tpu.memref_slice %arg7[%rem3A_346, %dma_wait3A_534, %dma_wait3A_535] : memref<4x32x128xf32, #tpu.memory_space<vmem>> -> memref<1x8x128xf32, #tpu.memory_space<vmem>>
          %dma_wait3A_537 = tpu.memref_squeeze %dma_wait3A_536 : memref<1x8x128xf32, #tpu.memory_space<vmem>> -> memref<8x128xf32, #tpu.memory_space<vmem>>
          tpu.wait_dma2 semaphore(%dma_wait3A_530 : memref<!tpu.dma_semaphore, #tpu.memory_space<semaphore_mem>>) src(%dma_wait3A_537 : memref<8x128xf32, #tpu.memory_space<vmem>>) dst(%dma_wait3A_533 : memref<8x128xf32, #tpu.memory_space<hbm>>)
        } else {
        }
        %parallel_loop3A = arith.constant 0 : i32
        %parallel_loop3A_354 = arith.constant 256 : i32
        %parallel_loop3A_355 = arith.constant 1 : i32
        scf.for %parallel_loop3A_474 = %parallel_loop3A to %parallel_loop3A_354 step %parallel_loop3A_355  : i32 {
          %parallel_loop3A_475 = arith.constant 5 : i32
          %parallel_loop3A_476 = arith.shrui %parallel_loop3A_474, %parallel_loop3A_475 : i32
          %parallel_loop3A_477 = arith.constant 4 : i32
          %parallel_loop3A_478 = arith.shrui %parallel_loop3A_474, %parallel_loop3A_477 : i32
          %parallel_loop3A_479 = arith.constant 1 : i32
          %parallel_loop3A_480 = arith.andi %parallel_loop3A_478, %parallel_loop3A_479 : i32
          %parallel_loop3A_481 = arith.constant 15 : i32
          %parallel_loop3A_482 = arith.andi %parallel_loop3A_474, %parallel_loop3A_481 : i32
          %parallel_loop3A_483 = arith.constant 128 : i32
          %parallel_loop3A_484 = arith.muli %scan3A_344, %parallel_loop3A_483 : i32
          %parallel_loop3A_485 = arith.constant 16 : i32
          %parallel_loop3A_486 = arith.muli %parallel_loop3A_485, %parallel_loop3A_476 : i32
          %parallel_loop3A_487 = arith.addi %parallel_loop3A_484, %parallel_loop3A_486 : i32
          %parallel_loop3A_488 = vector.broadcast %parallel_loop3A_487 : i32 to vector<16xi32>
          %parallel_loop3A_489 = arith.addi %iota3A, %parallel_loop3A_488 : vector<16xi32>
          %parallel_loop3A_490 = vector.broadcast %parallel_loop3A_482 : i32 to vector<16xi32>
          %parallel_loop3A_491 = arith.addi %iota3A, %parallel_loop3A_490 : vector<16xi32>
          %parallel_loop3A_492 = arith.constant 15 : i32
          %parallel_loop3A_493 = vector.broadcast %parallel_loop3A_492 : i32 to vector<16xi32>
          %parallel_loop3A_494 = arith.andi %parallel_loop3A_491, %parallel_loop3A_493 : vector<16xi32>
          %parallel_loop3A_495 = arith.constant 16 : i32
          %parallel_loop3A_496 = arith.muli %parallel_loop3A_480, %parallel_loop3A_495 : i32
          %parallel_loop3A_497 = vector.broadcast %parallel_loop3A_496 : i32 to vector<16xi32>
          %parallel_loop3A_498 = arith.addi %parallel_loop3A_494, %parallel_loop3A_497 : vector<16xi32>
          %parallel_loop3A_499 = arith.constant 16 : i32
          %parallel_loop3A_500 = arith.muli %parallel_loop3A_499, %parallel_loop3A_476 : i32
          %parallel_loop3A_501 = vector.broadcast %parallel_loop3A_500 : i32 to vector<16xi32>
          %parallel_loop3A_502 = arith.addi %iota3A, %parallel_loop3A_501 : vector<16xi32>
          %parallel_loop3A_503 = arith.constant 0 : i32
          %parallel_loop3A_504 = arith.constant 0 : i32
          %parallel_loop3A_505 = tpu.memref_slice %arg6[%rem3A_321, %parallel_loop3A_503, %parallel_loop3A_504] : memref<2x1280x32xf32, #tpu.memory_space<vmem>> -> memref<1x1280x32xf32, #tpu.memory_space<vmem>>
          %parallel_loop3A_506 = tpu.memref_squeeze %parallel_loop3A_505 : memref<1x1280x32xf32, #tpu.memory_space<vmem>> -> memref<1280x32xf32, #tpu.memory_space<vmem>>
          %parallel_loop3A_507 = tpu.vector_load_idx %parallel_loop3A_506[%parallel_loop3A_489, %parallel_loop3A_498] : memref<1280x32xf32, #tpu.memory_space<vmem>>[vector<16xi32>, vector<16xi32>], vector<16xf32>,
          %parallel_loop3A_508 = arith.constant 0 : i32
          %parallel_loop3A_509 = arith.constant 0 : i32
          %parallel_loop3A_510 = tpu.memref_slice %arg7[%rem3A_346, %parallel_loop3A_508, %parallel_loop3A_509] : memref<4x32x128xf32, #tpu.memory_space<vmem>> -> memref<1x32x128xf32, #tpu.memory_space<vmem>>
          %parallel_loop3A_511 = tpu.memref_squeeze %parallel_loop3A_510 : memref<1x32x128xf32, #tpu.memory_space<vmem>> -> memref<32x128xf32, #tpu.memory_space<vmem>>
          tpu.vector_store_idx %parallel_loop3A_511[%parallel_loop3A_498, %parallel_loop3A_502], %parallel_loop3A_507 : memref<32x128xf32, #tpu.memory_space<vmem>>[vector<16xi32>, vector<16xi32>], vector<16xf32>,
        } {sc.loop_unroll_factor = 16 : i64, sc.parallel_access}
        %mul3A_356 = arith.constant 200 : i32
        %mul3A_357 = arith.muli %add3A, %mul3A_356 : i32
        %mul3A_358 = arith.constant 10 : i32
        %mul3A_359 = arith.muli %scan3A_320, %mul3A_358 : i32
        %add3A_360 = arith.addi %mul3A_357, %mul3A_359 : i32
        %add3A_361 = arith.addi %add3A_360, %scan3A_344 : i32
        %jit3A = arith.constant 32 : i32
        %div3A = arith.divsi %add3A_361, %jit3A : i32
        %sign3A = arith.constant 0 : i32
        %sign3A_362 = arith.cmpi sgt, %add3A_361, %sign3A : i32
        %sign3A_363 = arith.extui %sign3A_362 : i1 to i32
        %sign3A_364 = arith.constant 0 : i32
        %sign3A_365 = arith.cmpi slt, %add3A_361, %sign3A_364 : i32
        %sign3A_366 = arith.extui %sign3A_365 : i1 to i32
        %sign3A_367 = arith.subi %sign3A_363, %sign3A_366 : i32
        %sign3A_368 = arith.constant 0 : i32
        %sign3A_369 = arith.cmpi sgt, %jit3A, %sign3A_368 : i32
        %sign3A_370 = arith.extui %sign3A_369 : i1 to i32
        %sign3A_371 = arith.constant 0 : i32
        %sign3A_372 = arith.cmpi slt, %jit3A, %sign3A_371 : i32
        %sign3A_373 = arith.extui %sign3A_372 : i1 to i32
        %sign3A_374 = arith.subi %sign3A_370, %sign3A_373 : i32
        %ne3A = arith.cmpi ne, %sign3A_367, %sign3A_374 : i32
        %rem3A_375 = arith.remsi %add3A_361, %jit3A : i32
        %ne3A_376 = arith.constant 0 : i32
        %ne3A_377 = arith.cmpi ne, %rem3A_375, %ne3A_376 : i32
        %and3A = arith.andi %ne3A, %ne3A_377 : i1
        %sub3A = arith.constant 1 : i32
        %sub3A_378 = arith.subi %div3A, %sub3A : i32
        %select_n3A = arith.select %and3A, %sub3A_378, %div3A : i32
        %mul3A_379 = arith.constant 32 : i32
        %mul3A_380 = arith.muli %select_n3A, %mul3A_379 : i32
        %sub3A_381 = arith.subi %add3A_361, %mul3A_380 : i32
        %mul3A_382 = arith.constant 4 : i32
        %mul3A_383 = arith.muli %select_n3A, %mul3A_382 : i32
        %add3A_384 = arith.constant 0 : i32
        %add3A_385 = arith.addi %mul3A_383, %add3A_384 : i32
        %mul3A_386 = arith.constant 32 : i32
        %mul3A_387 = arith.muli %add3A_385, %mul3A_386 : i32
        %add3A_388 = arith.addi %mul3A_387, %sub3A_381 : i32
        %mul3A_389 = arith.constant 8 : i32
        %mul3A_390 = arith.muli %add3A_388, %mul3A_389 : i32
        %dma_start3A_391 = arith.constant 0 : i32
        %dma_start3A_392 = arith.constant 0 : i32
        %dma_start3A_393 = tpu.memref_slice %arg7[%rem3A_346, %dma_start3A_391, %dma_start3A_392] : memref<4x32x128xf32, #tpu.memory_space<vmem>> -> memref<1x8x128xf32, #tpu.memory_space<vmem>>
        %dma_start3A_394 = tpu.memref_squeeze %dma_start3A_393 : memref<1x8x128xf32, #tpu.memory_space<vmem>> -> memref<8x128xf32, #tpu.memory_space<vmem>>
        %dma_start3A_395 = arith.constant 0 : i32
        %dma_start3A_396 = tpu.memref_slice %arg4[%mul3A_390, %dma_start3A_395] : memref<204800x128xf32, #tpu.memory_space<hbm>> -> memref<8x128xf32, #tpu.memory_space<hbm>>
        %dma_start3A_397 = tpu.memref_slice %arg9[%rem3A_346] : memref<4x!tpu.dma_semaphore, #tpu.memory_space<semaphore_mem>> -> memref<1x!tpu.dma_semaphore, #tpu.memory_space<semaphore_mem>>
        %dma_start3A_398 = tpu.memref_squeeze %dma_start3A_397 : memref<1x!tpu.dma_semaphore, #tpu.memory_space<semaphore_mem>> -> memref<!tpu.dma_semaphore, #tpu.memory_space<semaphore_mem>>
        %dma_start3A_399 = arith.constant 0 : i32
        %dma_start3A_400 = tpu.memref_slice %arg4[%mul3A_390, %dma_start3A_399] : memref<204800x128xf32, #tpu.memory_space<hbm>> -> memref<8x128xf32, #tpu.memory_space<hbm>>
        %dma_start3A_401 = arith.constant 0 : i32
        %dma_start3A_402 = arith.constant 0 : i32
        %dma_start3A_403 = tpu.memref_slice %arg7[%rem3A_346, %dma_start3A_401, %dma_start3A_402] : memref<4x32x128xf32, #tpu.memory_space<vmem>> -> memref<1x8x128xf32, #tpu.memory_space<vmem>>
        %dma_start3A_404 = tpu.memref_squeeze %dma_start3A_403 : memref<1x8x128xf32, #tpu.memory_space<vmem>> -> memref<8x128xf32, #tpu.memory_space<vmem>>
        tpu.enqueue_dma source(%dma_start3A_404 : memref<8x128xf32, #tpu.memory_space<vmem>>) target(%dma_start3A_400 : memref<8x128xf32, #tpu.memory_space<hbm>>) target_semaphore(%dma_start3A_398 : memref<!tpu.dma_semaphore, #tpu.memory_space<semaphore_mem>>)
        %mul3A_405 = arith.constant 4 : i32
        %mul3A_406 = arith.muli %select_n3A, %mul3A_405 : i32
        %add3A_407 = arith.constant 1 : i32
        %add3A_408 = arith.addi %mul3A_406, %add3A_407 : i32
        %mul3A_409 = arith.constant 32 : i32
        %mul3A_410 = arith.muli %add3A_408, %mul3A_409 : i32
        %add3A_411 = arith.addi %mul3A_410, %sub3A_381 : i32
        %mul3A_412 = arith.constant 8 : i32
        %mul3A_413 = arith.muli %add3A_411, %mul3A_412 : i32
        %dma_start3A_414 = arith.constant 8 : i32
        %dma_start3A_415 = arith.constant 0 : i32
        %dma_start3A_416 = tpu.memref_slice %arg7[%rem3A_346, %dma_start3A_414, %dma_start3A_415] : memref<4x32x128xf32, #tpu.memory_space<vmem>> -> memref<1x8x128xf32, #tpu.memory_space<vmem>>
        %dma_start3A_417 = tpu.memref_squeeze %dma_start3A_416 : memref<1x8x128xf32, #tpu.memory_space<vmem>> -> memref<8x128xf32, #tpu.memory_space<vmem>>
        %dma_start3A_418 = arith.constant 0 : i32
        %dma_start3A_419 = tpu.memref_slice %arg4[%mul3A_413, %dma_start3A_418] : memref<204800x128xf32, #tpu.memory_space<hbm>> -> memref<8x128xf32, #tpu.memory_space<hbm>>
        %dma_start3A_420 = tpu.memref_slice %arg9[%rem3A_346] : memref<4x!tpu.dma_semaphore, #tpu.memory_space<semaphore_mem>> -> memref<1x!tpu.dma_semaphore, #tpu.memory_space<semaphore_mem>>
        %dma_start3A_421 = tpu.memref_squeeze %dma_start3A_420 : memref<1x!tpu.dma_semaphore, #tpu.memory_space<semaphore_mem>> -> memref<!tpu.dma_semaphore, #tpu.memory_space<semaphore_mem>>
        %dma_start3A_422 = arith.constant 0 : i32
        %dma_start3A_423 = tpu.memref_slice %arg4[%mul3A_413, %dma_start3A_422] : memref<204800x128xf32, #tpu.memory_space<hbm>> -> memref<8x128xf32, #tpu.memory_space<hbm>>
        %dma_start3A_424 = arith.constant 8 : i32
        %dma_start3A_425 = arith.constant 0 : i32
        %dma_start3A_426 = tpu.memref_slice %arg7[%rem3A_346, %dma_start3A_424, %dma_start3A_425] : memref<4x32x128xf32, #tpu.memory_space<vmem>> -> memref<1x8x128xf32, #tpu.memory_space<vmem>>
        %dma_start3A_427 = tpu.memref_squeeze %dma_start3A_426 : memref<1x8x128xf32, #tpu.memory_space<vmem>> -> memref<8x128xf32, #tpu.memory_space<vmem>>
        tpu.enqueue_dma source(%dma_start3A_427 : memref<8x128xf32, #tpu.memory_space<vmem>>) target(%dma_start3A_423 : memref<8x128xf32, #tpu.memory_space<hbm>>) target_semaphore(%dma_start3A_421 : memref<!tpu.dma_semaphore, #tpu.memory_space<semaphore_mem>>)
        %mul3A_428 = arith.constant 4 : i32
        %mul3A_429 = arith.muli %select_n3A, %mul3A_428 : i32
        %add3A_430 = arith.constant 2 : i32
        %add3A_431 = arith.addi %mul3A_429, %add3A_430 : i32
        %mul3A_432 = arith.constant 32 : i32
        %mul3A_433 = arith.muli %add3A_431, %mul3A_432 : i32
        %add3A_434 = arith.addi %mul3A_433, %sub3A_381 : i32
        %mul3A_435 = arith.constant 8 : i32
        %mul3A_436 = arith.muli %add3A_434, %mul3A_435 : i32
        %dma_start3A_437 = arith.constant 16 : i32
        %dma_start3A_438 = arith.constant 0 : i32
        %dma_start3A_439 = tpu.memref_slice %arg7[%rem3A_346, %dma_start3A_437, %dma_start3A_438] : memref<4x32x128xf32, #tpu.memory_space<vmem>> -> memref<1x8x128xf32, #tpu.memory_space<vmem>>
        %dma_start3A_440 = tpu.memref_squeeze %dma_start3A_439 : memref<1x8x128xf32, #tpu.memory_space<vmem>> -> memref<8x128xf32, #tpu.memory_space<vmem>>
        %dma_start3A_441 = arith.constant 0 : i32
        %dma_start3A_442 = tpu.memref_slice %arg4[%mul3A_436, %dma_start3A_441] : memref<204800x128xf32, #tpu.memory_space<hbm>> -> memref<8x128xf32, #tpu.memory_space<hbm>>
        %dma_start3A_443 = tpu.memref_slice %arg9[%rem3A_346] : memref<4x!tpu.dma_semaphore, #tpu.memory_space<semaphore_mem>> -> memref<1x!tpu.dma_semaphore, #tpu.memory_space<semaphore_mem>>
        %dma_start3A_444 = tpu.memref_squeeze %dma_start3A_443 : memref<1x!tpu.dma_semaphore, #tpu.memory_space<semaphore_mem>> -> memref<!tpu.dma_semaphore, #tpu.memory_space<semaphore_mem>>
        %dma_start3A_445 = arith.constant 0 : i32
        %dma_start3A_446 = tpu.memref_slice %arg4[%mul3A_436, %dma_start3A_445] : memref<204800x128xf32, #tpu.memory_space<hbm>> -> memref<8x128xf32, #tpu.memory_space<hbm>>
        %dma_start3A_447 = arith.constant 16 : i32
        %dma_start3A_448 = arith.constant 0 : i32
        %dma_start3A_449 = tpu.memref_slice %arg7[%rem3A_346, %dma_start3A_447, %dma_start3A_448] : memref<4x32x128xf32, #tpu.memory_space<vmem>> -> memref<1x8x128xf32, #tpu.memory_space<vmem>>
        %dma_start3A_450 = tpu.memref_squeeze %dma_start3A_449 : memref<1x8x128xf32, #tpu.memory_space<vmem>> -> memref<8x128xf32, #tpu.memory_space<vmem>>
        tpu.enqueue_dma source(%dma_start3A_450 : memref<8x128xf32, #tpu.memory_space<vmem>>) target(%dma_start3A_446 : memref<8x128xf32, #tpu.memory_space<hbm>>) target_semaphore(%dma_start3A_444 : memref<!tpu.dma_semaphore, #tpu.memory_space<semaphore_mem>>)
        %mul3A_451 = arith.constant 4 : i32
        %mul3A_452 = arith.muli %select_n3A, %mul3A_451 : i32
        %add3A_453 = arith.constant 3 : i32
        %add3A_454 = arith.addi %mul3A_452, %add3A_453 : i32
        %mul3A_455 = arith.constant 32 : i32
        %mul3A_456 = arith.muli %add3A_454, %mul3A_455 : i32
        %add3A_457 = arith.addi %mul3A_456, %sub3A_381 : i32
        %mul3A_458 = arith.constant 8 : i32
        %mul3A_459 = arith.muli %add3A_457, %mul3A_458 : i32
        %dma_start3A_460 = arith.constant 24 : i32
        %dma_start3A_461 = arith.constant 0 : i32
        %dma_start3A_462 = tpu.memref_slice %arg7[%rem3A_346, %dma_start3A_460, %dma_start3A_461] : memref<4x32x128xf32, #tpu.memory_space<vmem>> -> memref<1x8x128xf32, #tpu.memory_space<vmem>>
        %dma_start3A_463 = tpu.memref_squeeze %dma_start3A_462 : memref<1x8x128xf32, #tpu.memory_space<vmem>> -> memref<8x128xf32, #tpu.memory_space<vmem>>
        %dma_start3A_464 = arith.constant 0 : i32
        %dma_start3A_465 = tpu.memref_slice %arg4[%mul3A_459, %dma_start3A_464] : memref<204800x128xf32, #tpu.memory_space<hbm>> -> memref<8x128xf32, #tpu.memory_space<hbm>>
        %dma_start3A_466 = tpu.memref_slice %arg9[%rem3A_346] : memref<4x!tpu.dma_semaphore, #tpu.memory_space<semaphore_mem>> -> memref<1x!tpu.dma_semaphore, #tpu.memory_space<semaphore_mem>>
        %dma_start3A_467 = tpu.memref_squeeze %dma_start3A_466 : memref<1x!tpu.dma_semaphore, #tpu.memory_space<semaphore_mem>> -> memref<!tpu.dma_semaphore, #tpu.memory_space<semaphore_mem>>
        %dma_start3A_468 = arith.constant 0 : i32
        %dma_start3A_469 = tpu.memref_slice %arg4[%mul3A_459, %dma_start3A_468] : memref<204800x128xf32, #tpu.memory_space<hbm>> -> memref<8x128xf32, #tpu.memory_space<hbm>>
        %dma_start3A_470 = arith.constant 24 : i32
        %dma_start3A_471 = arith.constant 0 : i32
        %dma_start3A_472 = tpu.memref_slice %arg7[%rem3A_346, %dma_start3A_470, %dma_start3A_471] : memref<4x32x128xf32, #tpu.memory_space<vmem>> -> memref<1x8x128xf32, #tpu.memory_space<vmem>>
        %dma_start3A_473 = tpu.memref_squeeze %dma_start3A_472 : memref<1x8x128xf32, #tpu.memory_space<vmem>> -> memref<8x128xf32, #tpu.memory_space<vmem>>
        tpu.enqueue_dma source(%dma_start3A_473 : memref<8x128xf32, #tpu.memory_space<vmem>>) target(%dma_start3A_469 : memref<8x128xf32, #tpu.memory_space<hbm>>) target_semaphore(%dma_start3A_467 : memref<!tpu.dma_semaphore, #tpu.memory_space<semaphore_mem>>)
      }
      %scan3A_339 = arith.constant 10 : i32
      %add3A_340 = arith.constant 2 : i32
      %add3A_341 = arith.addi %scan3A_320, %add3A_340 : i32
      %lt3A = arith.constant 20 : i32
      %lt3A_342 = arith.cmpi slt, %add3A_341, %lt3A : i32
      %convert_element_type3A = arith.extui %lt3A_342 : i1 to i32
      %cond3A = arith.constant 0 : i32
      %cond3A_343 = arith.cmpi ne, %convert_element_type3A, %cond3A : i32
      scf.if %cond3A_343 {
        %add3A_344 = arith.constant 2 : i32
        %add3A_345 = arith.addi %scan3A_320, %add3A_344 : i32
        %mul3A_346 = arith.constant 1280 : i32
        %mul3A_347 = arith.muli %add3A_345, %mul3A_346 : i32
        %dma_start3A_348 = arith.constant 0 : i32
        %dma_start3A_349 = arith.constant 0 : i32
        %dma_start3A_350 = tpu.memref_slice %arg6[%rem3A_321, %dma_start3A_348, %dma_start3A_349] : memref<2x1280x32xf32, #tpu.memory_space<vmem>> -> memref<1x1280x32xf32, #tpu.memory_space<vmem>>
        %dma_start3A_351 = tpu.memref_squeeze %dma_start3A_350 : memref<1x1280x32xf32, #tpu.memory_space<vmem>> -> memref<1280x32xf32, #tpu.memory_space<vmem>>
        %dma_start3A_352 = tpu.memref_slice %arg5[%mul3A_347] : memref<25600xi32, #tpu.memory_space<vmem>> -> memref<1280xi32, #tpu.memory_space<vmem>>
        %dma_start3A_353 = arith.constant 0 : i32
        %dma_start3A_354 = arith.constant 0 : i32
        %dma_start3A_355 = tpu.memref_slice %arg3[%dma_start3A_353, %dma_start3A_354] : memref<1000000x32xf32, #tpu.memory_space<hbm>> -> memref<1000000x32xf32, #tpu.memory_space<hbm>>
        %dma_start3A_356 = tpu.memref_slice %arg8[%rem3A_321] : memref<2x!tpu.dma_semaphore, #tpu.memory_space<semaphore_mem>> -> memref<1x!tpu.dma_semaphore, #tpu.memory_space<semaphore_mem>>
        %dma_start3A_357 = tpu.memref_squeeze %dma_start3A_356 : memref<1x!tpu.dma_semaphore, #tpu.memory_space<semaphore_mem>> -> memref<!tpu.dma_semaphore, #tpu.memory_space<semaphore_mem>>
        tpu.enqueue_indirect_dma source(%dma_start3A_355 : memref<1000000x32xf32, #tpu.memory_space<hbm>>) target(%dma_start3A_351 : memref<1280x32xf32, #tpu.memory_space<vmem>>) offsets(%dma_start3A_352 : memref<1280xi32, #tpu.memory_space<vmem>>) semaphore(%dma_start3A_357 : memref<!tpu.dma_semaphore, #tpu.memory_space<semaphore_mem>>)
      } else {
      }
    }
    %scan3A_32 = arith.constant 20 : i32
    %dma_wait3A = arith.constant 0 : i32
    %dma_wait3A_33 = arith.constant 0 : i32
    %dma_wait3A_34 = arith.constant 0 : i32
    %dma_wait3A_35 = arith.constant 0 : i32
    %dma_wait3A_36 = tpu.memref_slice %arg7[%dma_wait3A, %dma_wait3A_34, %dma_wait3A_35] : memref<4x32x128xf32, #tpu.memory_space<vmem>> -> memref<1x8x128xf32, #tpu.memory_space<vmem>>
    %dma_wait3A_37 = tpu.memref_squeeze %dma_wait3A_36 : memref<1x8x128xf32, #tpu.memory_space<vmem>> -> memref<8x128xf32, #tpu.memory_space<vmem>>
    %dma_wait3A_38 = arith.constant 0 : i32
    %dma_wait3A_39 = arith.constant 0 : i32
    %dma_wait3A_40 = tpu.memref_slice %arg4[%dma_wait3A_38, %dma_wait3A_39] : memref<204800x128xf32, #tpu.memory_space<hbm>> -> memref<8x128xf32, #tpu.memory_space<hbm>>
    %dma_wait3A_41 = tpu.memref_slice %arg9[%dma_wait3A_33] : memref<4x!tpu.dma_semaphore, #tpu.memory_space<semaphore_mem>> -> memref<1x!tpu.dma_semaphore, #tpu.memory_space<semaphore_mem>>
    %dma_wait3A_42 = tpu.memref_squeeze %dma_wait3A_41 : memref<1x!tpu.dma_semaphore, #tpu.memory_space<semaphore_mem>> -> memref<!tpu.dma_semaphore, #tpu.memory_space<semaphore_mem>>
    %dma_wait3A_43 = arith.constant 0 : i32
    %dma_wait3A_44 = arith.constant 0 : i32
    %dma_wait3A_45 = tpu.memref_slice %arg4[%dma_wait3A_43, %dma_wait3A_44] : memref<204800x128xf32, #tpu.memory_space<hbm>> -> memref<8x128xf32, #tpu.memory_space<hbm>>
    %dma_wait3A_46 = arith.constant 0 : i32
    %dma_wait3A_47 = arith.constant 0 : i32
    %dma_wait3A_48 = tpu.memref_slice %arg7[%dma_wait3A, %dma_wait3A_46, %dma_wait3A_47] : memref<4x32x128xf32, #tpu.memory_space<vmem>> -> memref<1x8x128xf32, #tpu.memory_space<vmem>>
    %dma_wait3A_49 = tpu.memref_squeeze %dma_wait3A_48 : memref<1x8x128xf32, #tpu.memory_space<vmem>> -> memref<8x128xf32, #tpu.memory_space<vmem>>
    tpu.wait_dma2 semaphore(%dma_wait3A_42 : memref<!tpu.dma_semaphore, #tpu.memory_space<semaphore_mem>>) src(%dma_wait3A_49 : memref<8x128xf32, #tpu.memory_space<vmem>>) dst(%dma_wait3A_45 : memref<8x128xf32, #tpu.memory_space<hbm>>)
    %dma_wait3A_50 = arith.constant 0 : i32
    %dma_wait3A_51 = arith.constant 0 : i32
    %dma_wait3A_52 = arith.constant 0 : i32
    %dma_wait3A_53 = arith.constant 0 : i32
    %dma_wait3A_54 = tpu.memref_slice %arg7[%dma_wait3A_50, %dma_wait3A_52, %dma_wait3A_53] : memref<4x32x128xf32, #tpu.memory_space<vmem>> -> memref<1x8x128xf32, #tpu.memory_space<vmem>>
    %dma_wait3A_55 = tpu.memref_squeeze %dma_wait3A_54 : memref<1x8x128xf32, #tpu.memory_space<vmem>> -> memref<8x128xf32, #tpu.memory_space<vmem>>
    %dma_wait3A_56 = arith.constant 0 : i32
    %dma_wait3A_57 = arith.constant 0 : i32
    %dma_wait3A_58 = tpu.memref_slice %arg4[%dma_wait3A_56, %dma_wait3A_57] : memref<204800x128xf32, #tpu.memory_space<hbm>> -> memref<8x128xf32, #tpu.memory_space<hbm>>
    %dma_wait3A_59 = tpu.memref_slice %arg9[%dma_wait3A_51] : memref<4x!tpu.dma_semaphore, #tpu.memory_space<semaphore_mem>> -> memref<1x!tpu.dma_semaphore, #tpu.memory_space<semaphore_mem>>
    %dma_wait3A_60 = tpu.memref_squeeze %dma_wait3A_59 : memref<1x!tpu.dma_semaphore, #tpu.memory_space<semaphore_mem>> -> memref<!tpu.dma_semaphore, #tpu.memory_space<semaphore_mem>>
    %dma_wait3A_61 = arith.constant 0 : i32
    %dma_wait3A_62 = arith.constant 0 : i32
    %dma_wait3A_63 = tpu.memref_slice %arg4[%dma_wait3A_61, %dma_wait3A_62] : memref<204800x128xf32, #tpu.memory_space<hbm>> -> memref<8x128xf32, #tpu.memory_space<hbm>>
    %dma_wait3A_64 = arith.constant 0 : i32
    %dma_wait3A_65 = arith.constant 0 : i32
    %dma_wait3A_66 = tpu.memref_slice %arg7[%dma_wait3A_50, %dma_wait3A_64, %dma_wait3A_65] : memref<4x32x128xf32, #tpu.memory_space<vmem>> -> memref<1x8x128xf32, #tpu.memory_space<vmem>>
    %dma_wait3A_67 = tpu.memref_squeeze %dma_wait3A_66 : memref<1x8x128xf32, #tpu.memory_space<vmem>> -> memref<8x128xf32, #tpu.memory_space<vmem>>
    tpu.wait_dma2 semaphore(%dma_wait3A_60 : memref<!tpu.dma_semaphore, #tpu.memory_space<semaphore_mem>>) src(%dma_wait3A_67 : memref<8x128xf32, #tpu.memory_space<vmem>>) dst(%dma_wait3A_63 : memref<8x128xf32, #tpu.memory_space<hbm>>)
    %dma_wait3A_68 = arith.constant 0 : i32
    %dma_wait3A_69 = arith.constant 0 : i32
    %dma_wait3A_70 = arith.constant 0 : i32
    %dma_wait3A_71 = arith.constant 0 : i32
    %dma_wait3A_72 = tpu.memref_slice %arg7[%dma_wait3A_68, %dma_wait3A_70, %dma_wait3A_71] : memref<4x32x128xf32, #tpu.memory_space<vmem>> -> memref<1x8x128xf32, #tpu.memory_space<vmem>>
    %dma_wait3A_73 = tpu.memref_squeeze %dma_wait3A_72 : memref<1x8x128xf32, #tpu.memory_space<vmem>> -> memref<8x128xf32, #tpu.memory_space<vmem>>
    %dma_wait3A_74 = arith.constant 0 : i32
    %dma_wait3A_75 = arith.constant 0 : i32
    %dma_wait3A_76 = tpu.memref_slice %arg4[%dma_wait3A_74, %dma_wait3A_75] : memref<204800x128xf32, #tpu.memory_space<hbm>> -> memref<8x128xf32, #tpu.memory_space<hbm>>
    %dma_wait3A_77 = tpu.memref_slice %arg9[%dma_wait3A_69] : memref<4x!tpu.dma_semaphore, #tpu.memory_space<semaphore_mem>> -> memref<1x!tpu.dma_semaphore, #tpu.memory_space<semaphore_mem>>
    %dma_wait3A_78 = tpu.memref_squeeze %dma_wait3A_77 : memref<1x!tpu.dma_semaphore, #tpu.memory_space<semaphore_mem>> -> memref<!tpu.dma_semaphore, #tpu.memory_space<semaphore_mem>>
    %dma_wait3A_79 = arith.constant 0 : i32
    %dma_wait3A_80 = arith.constant 0 : i32
    %dma_wait3A_81 = tpu.memref_slice %arg4[%dma_wait3A_79, %dma_wait3A_80] : memref<204800x128xf32, #tpu.memory_space<hbm>> -> memref<8x128xf32, #tpu.memory_space<hbm>>
    %dma_wait3A_82 = arith.constant 0 : i32
    %dma_wait3A_83 = arith.constant 0 : i32
    %dma_wait3A_84 = tpu.memref_slice %arg7[%dma_wait3A_68, %dma_wait3A_82, %dma_wait3A_83] : memref<4x32x128xf32, #tpu.memory_space<vmem>> -> memref<1x8x128xf32, #tpu.memory_space<vmem>>
    %dma_wait3A_85 = tpu.memref_squeeze %dma_wait3A_84 : memref<1x8x128xf32, #tpu.memory_space<vmem>> -> memref<8x128xf32, #tpu.memory_space<vmem>>
    tpu.wait_dma2 semaphore(%dma_wait3A_78 : memref<!tpu.dma_semaphore, #tpu.memory_space<semaphore_mem>>) src(%dma_wait3A_85 : memref<8x128xf32, #tpu.memory_space<vmem>>) dst(%dma_wait3A_81 : memref<8x128xf32, #tpu.memory_space<hbm>>)
    %dma_wait3A_86 = arith.constant 0 : i32
    %dma_wait3A_87 = arith.constant 0 : i32
    %dma_wait3A_88 = arith.constant 0 : i32
    %dma_wait3A_89 = arith.constant 0 : i32
    %dma_wait3A_90 = tpu.memref_slice %arg7[%dma_wait3A_86, %dma_wait3A_88, %dma_wait3A_89] : memref<4x32x128xf32, #tpu.memory_space<vmem>> -> memref<1x8x128xf32, #tpu.memory_space<vmem>>
    %dma_wait3A_91 = tpu.memref_squeeze %dma_wait3A_90 : memref<1x8x128xf32, #tpu.memory_space<vmem>> -> memref<8x128xf32, #tpu.memory_space<vmem>>
    %dma_wait3A_92 = arith.constant 0 : i32
    %dma_wait3A_93 = arith.constant 0 : i32
    %dma_wait3A_94 = tpu.memref_slice %arg4[%dma_wait3A_92, %dma_wait3A_93] : memref<204800x128xf32, #tpu.memory_space<hbm>> -> memref<8x128xf32, #tpu.memory_space<hbm>>
    %dma_wait3A_95 = tpu.memref_slice %arg9[%dma_wait3A_87] : memref<4x!tpu.dma_semaphore, #tpu.memory_space<semaphore_mem>> -> memref<1x!tpu.dma_semaphore, #tpu.memory_space<semaphore_mem>>
    %dma_wait3A_96 = tpu.memref_squeeze %dma_wait3A_95 : memref<1x!tpu.dma_semaphore, #tpu.memory_space<semaphore_mem>> -> memref<!tpu.dma_semaphore, #tpu.memory_space<semaphore_mem>>
    %dma_wait3A_97 = arith.constant 0 : i32
    %dma_wait3A_98 = arith.constant 0 : i32
    %dma_wait3A_99 = tpu.memref_slice %arg4[%dma_wait3A_97, %dma_wait3A_98] : memref<204800x128xf32, #tpu.memory_space<hbm>> -> memref<8x128xf32, #tpu.memory_space<hbm>>
    %dma_wait3A_100 = arith.constant 0 : i32
    %dma_wait3A_101 = arith.constant 0 : i32
    %dma_wait3A_102 = tpu.memref_slice %arg7[%dma_wait3A_86, %dma_wait3A_100, %dma_wait3A_101] : memref<4x32x128xf32, #tpu.memory_space<vmem>> -> memref<1x8x128xf32, #tpu.memory_space<vmem>>
    %dma_wait3A_103 = tpu.memref_squeeze %dma_wait3A_102 : memref<1x8x128xf32, #tpu.memory_space<vmem>> -> memref<8x128xf32, #tpu.memory_space<vmem>>
    tpu.wait_dma2 semaphore(%dma_wait3A_96 : memref<!tpu.dma_semaphore, #tpu.memory_space<semaphore_mem>>) src(%dma_wait3A_103 : memref<8x128xf32, #tpu.memory_space<vmem>>) dst(%dma_wait3A_99 : memref<8x128xf32, #tpu.memory_space<hbm>>)
    %dma_wait3A_104 = arith.constant 1 : i32
    %dma_wait3A_105 = arith.constant 1 : i32
    %dma_wait3A_106 = arith.constant 0 : i32
    %dma_wait3A_107 = arith.constant 0 : i32
    %dma_wait3A_108 = tpu.memref_slice %arg7[%dma_wait3A_104, %dma_wait3A_106, %dma_wait3A_107] : memref<4x32x128xf32, #tpu.memory_space<vmem>> -> memref<1x8x128xf32, #tpu.memory_space<vmem>>
    %dma_wait3A_109 = tpu.memref_squeeze %dma_wait3A_108 : memref<1x8x128xf32, #tpu.memory_space<vmem>> -> memref<8x128xf32, #tpu.memory_space<vmem>>
    %dma_wait3A_110 = arith.constant 0 : i32
    %dma_wait3A_111 = arith.constant 0 : i32
    %dma_wait3A_112 = tpu.memref_slice %arg4[%dma_wait3A_110, %dma_wait3A_111] : memref<204800x128xf32, #tpu.memory_space<hbm>> -> memref<8x128xf32, #tpu.memory_space<hbm>>
    %dma_wait3A_113 = tpu.memref_slice %arg9[%dma_wait3A_105] : memref<4x!tpu.dma_semaphore, #tpu.memory_space<semaphore_mem>> -> memref<1x!tpu.dma_semaphore, #tpu.memory_space<semaphore_mem>>
    %dma_wait3A_114 = tpu.memref_squeeze %dma_wait3A_113 : memref<1x!tpu.dma_semaphore, #tpu.memory_space<semaphore_mem>> -> memref<!tpu.dma_semaphore, #tpu.memory_space<semaphore_mem>>
    %dma_wait3A_115 = arith.constant 0 : i32
    %dma_wait3A_116 = arith.constant 0 : i32
    %dma_wait3A_117 = tpu.memref_slice %arg4[%dma_wait3A_115, %dma_wait3A_116] : memref<204800x128xf32, #tpu.memory_space<hbm>> -> memref<8x128xf32, #tpu.memory_space<hbm>>
    %dma_wait3A_118 = arith.constant 0 : i32
    %dma_wait3A_119 = arith.constant 0 : i32
    %dma_wait3A_120 = tpu.memref_slice %arg7[%dma_wait3A_104, %dma_wait3A_118, %dma_wait3A_119] : memref<4x32x128xf32, #tpu.memory_space<vmem>> -> memref<1x8x128xf32, #tpu.memory_space<vmem>>
    %dma_wait3A_121 = tpu.memref_squeeze %dma_wait3A_120 : memref<1x8x128xf32, #tpu.memory_space<vmem>> -> memref<8x128xf32, #tpu.memory_space<vmem>>
    tpu.wait_dma2 semaphore(%dma_wait3A_114 : memref<!tpu.dma_semaphore, #tpu.memory_space<semaphore_mem>>) src(%dma_wait3A_121 : memref<8x128xf32, #tpu.memory_space<vmem>>) dst(%dma_wait3A_117 : memref<8x128xf32, #tpu.memory_space<hbm>>)
    %dma_wait3A_122 = arith.constant 1 : i32
    %dma_wait3A_123 = arith.constant 1 : i32
    %dma_wait3A_124 = arith.constant 0 : i32
    %dma_wait3A_125 = arith.constant 0 : i32
    %dma_wait3A_126 = tpu.memref_slice %arg7[%dma_wait3A_122, %dma_wait3A_124, %dma_wait3A_125] : memref<4x32x128xf32, #tpu.memory_space<vmem>> -> memref<1x8x128xf32, #tpu.memory_space<vmem>>
    %dma_wait3A_127 = tpu.memref_squeeze %dma_wait3A_126 : memref<1x8x128xf32, #tpu.memory_space<vmem>> -> memref<8x128xf32, #tpu.memory_space<vmem>>
    %dma_wait3A_128 = arith.constant 0 : i32
    %dma_wait3A_129 = arith.constant 0 : i32
    %dma_wait3A_130 = tpu.memref_slice %arg4[%dma_wait3A_128, %dma_wait3A_129] : memref<204800x128xf32, #tpu.memory_space<hbm>> -> memref<8x128xf32, #tpu.memory_space<hbm>>
    %dma_wait3A_131 = tpu.memref_slice %arg9[%dma_wait3A_123] : memref<4x!tpu.dma_semaphore, #tpu.memory_space<semaphore_mem>> -> memref<1x!tpu.dma_semaphore, #tpu.memory_space<semaphore_mem>>
    %dma_wait3A_132 = tpu.memref_squeeze %dma_wait3A_131 : memref<1x!tpu.dma_semaphore, #tpu.memory_space<semaphore_mem>> -> memref<!tpu.dma_semaphore, #tpu.memory_space<semaphore_mem>>
    %dma_wait3A_133 = arith.constant 0 : i32
    %dma_wait3A_134 = arith.constant 0 : i32
    %dma_wait3A_135 = tpu.memref_slice %arg4[%dma_wait3A_133, %dma_wait3A_134] : memref<204800x128xf32, #tpu.memory_space<hbm>> -> memref<8x128xf32, #tpu.memory_space<hbm>>
    %dma_wait3A_136 = arith.constant 0 : i32
    %dma_wait3A_137 = arith.constant 0 : i32
    %dma_wait3A_138 = tpu.memref_slice %arg7[%dma_wait3A_122, %dma_wait3A_136, %dma_wait3A_137] : memref<4x32x128xf32, #tpu.memory_space<vmem>> -> memref<1x8x128xf32, #tpu.memory_space<vmem>>
    %dma_wait3A_139 = tpu.memref_squeeze %dma_wait3A_138 : memref<1x8x128xf32, #tpu.memory_space<vmem>> -> memref<8x128xf32, #tpu.memory_space<vmem>>
    tpu.wait_dma2 semaphore(%dma_wait3A_132 : memref<!tpu.dma_semaphore, #tpu.memory_space<semaphore_mem>>) src(%dma_wait3A_139 : memref<8x128xf32, #tpu.memory_space<vmem>>) dst(%dma_wait3A_135 : memref<8x128xf32, #tpu.memory_space<hbm>>)
    %dma_wait3A_140 = arith.constant 1 : i32
    %dma_wait3A_141 = arith.constant 1 : i32
    %dma_wait3A_142 = arith.constant 0 : i32
    %dma_wait3A_143 = arith.constant 0 : i32
    %dma_wait3A_144 = tpu.memref_slice %arg7[%dma_wait3A_140, %dma_wait3A_142, %dma_wait3A_143] : memref<4x32x128xf32, #tpu.memory_space<vmem>> -> memref<1x8x128xf32, #tpu.memory_space<vmem>>
    %dma_wait3A_145 = tpu.memref_squeeze %dma_wait3A_144 : memref<1x8x128xf32, #tpu.memory_space<vmem>> -> memref<8x128xf32, #tpu.memory_space<vmem>>
    %dma_wait3A_146 = arith.constant 0 : i32
    %dma_wait3A_147 = arith.constant 0 : i32
    %dma_wait3A_148 = tpu.memref_slice %arg4[%dma_wait3A_146, %dma_wait3A_147] : memref<204800x128xf32, #tpu.memory_space<hbm>> -> memref<8x128xf32, #tpu.memory_space<hbm>>
    %dma_wait3A_149 = tpu.memref_slice %arg9[%dma_wait3A_141] : memref<4x!tpu.dma_semaphore, #tpu.memory_space<semaphore_mem>> -> memref<1x!tpu.dma_semaphore, #tpu.memory_space<semaphore_mem>>
    %dma_wait3A_150 = tpu.memref_squeeze %dma_wait3A_149 : memref<1x!tpu.dma_semaphore, #tpu.memory_space<semaphore_mem>> -> memref<!tpu.dma_semaphore, #tpu.memory_space<semaphore_mem>>
    %dma_wait3A_151 = arith.constant 0 : i32
    %dma_wait3A_152 = arith.constant 0 : i32
    %dma_wait3A_153 = tpu.memref_slice %arg4[%dma_wait3A_151, %dma_wait3A_152] : memref<204800x128xf32, #tpu.memory_space<hbm>> -> memref<8x128xf32, #tpu.memory_space<hbm>>
    %dma_wait3A_154 = arith.constant 0 : i32
    %dma_wait3A_155 = arith.constant 0 : i32
    %dma_wait3A_156 = tpu.memref_slice %arg7[%dma_wait3A_140, %dma_wait3A_154, %dma_wait3A_155] : memref<4x32x128xf32, #tpu.memory_space<vmem>> -> memref<1x8x128xf32, #tpu.memory_space<vmem>>
    %dma_wait3A_157 = tpu.memref_squeeze %dma_wait3A_156 : memref<1x8x128xf32, #tpu.memory_space<vmem>> -> memref<8x128xf32, #tpu.memory_space<vmem>>
    tpu.wait_dma2 semaphore(%dma_wait3A_150 : memref<!tpu.dma_semaphore, #tpu.memory_space<semaphore_mem>>) src(%dma_wait3A_157 : memref<8x128xf32, #tpu.memory_space<vmem>>) dst(%dma_wait3A_153 : memref<8x128xf32, #tpu.memory_space<hbm>>)
    %dma_wait3A_158 = arith.constant 1 : i32
    %dma_wait3A_159 = arith.constant 1 : i32
    %dma_wait3A_160 = arith.constant 0 : i32
    %dma_wait3A_161 = arith.constant 0 : i32
    %dma_wait3A_162 = tpu.memref_slice %arg7[%dma_wait3A_158, %dma_wait3A_160, %dma_wait3A_161] : memref<4x32x128xf32, #tpu.memory_space<vmem>> -> memref<1x8x128xf32, #tpu.memory_space<vmem>>
    %dma_wait3A_163 = tpu.memref_squeeze %dma_wait3A_162 : memref<1x8x128xf32, #tpu.memory_space<vmem>> -> memref<8x128xf32, #tpu.memory_space<vmem>>
    %dma_wait3A_164 = arith.constant 0 : i32
    %dma_wait3A_165 = arith.constant 0 : i32
    %dma_wait3A_166 = tpu.memref_slice %arg4[%dma_wait3A_164, %dma_wait3A_165] : memref<204800x128xf32, #tpu.memory_space<hbm>> -> memref<8x128xf32, #tpu.memory_space<hbm>>
    %dma_wait3A_167 = tpu.memref_slice %arg9[%dma_wait3A_159] : memref<4x!tpu.dma_semaphore, #tpu.memory_space<semaphore_mem>> -> memref<1x!tpu.dma_semaphore, #tpu.memory_space<semaphore_mem>>
    %dma_wait3A_168 = tpu.memref_squeeze %dma_wait3A_167 : memref<1x!tpu.dma_semaphore, #tpu.memory_space<semaphore_mem>> -> memref<!tpu.dma_semaphore, #tpu.memory_space<semaphore_mem>>
    %dma_wait3A_169 = arith.constant 0 : i32
    %dma_wait3A_170 = arith.constant 0 : i32
    %dma_wait3A_171 = tpu.memref_slice %arg4[%dma_wait3A_169, %dma_wait3A_170] : memref<204800x128xf32, #tpu.memory_space<hbm>> -> memref<8x128xf32, #tpu.memory_space<hbm>>
    %dma_wait3A_172 = arith.constant 0 : i32
    %dma_wait3A_173 = arith.constant 0 : i32
    %dma_wait3A_174 = tpu.memref_slice %arg7[%dma_wait3A_158, %dma_wait3A_172, %dma_wait3A_173] : memref<4x32x128xf32, #tpu.memory_space<vmem>> -> memref<1x8x128xf32, #tpu.memory_space<vmem>>
    %dma_wait3A_175 = tpu.memref_squeeze %dma_wait3A_174 : memref<1x8x128xf32, #tpu.memory_space<vmem>> -> memref<8x128xf32, #tpu.memory_space<vmem>>
    tpu.wait_dma2 semaphore(%dma_wait3A_168 : memref<!tpu.dma_semaphore, #tpu.memory_space<semaphore_mem>>) src(%dma_wait3A_175 : memref<8x128xf32, #tpu.memory_space<vmem>>) dst(%dma_wait3A_171 : memref<8x128xf32, #tpu.memory_space<hbm>>)
    %dma_wait3A_176 = arith.constant 2 : i32
    %dma_wait3A_177 = arith.constant 2 : i32
    %dma_wait3A_178 = arith.constant 0 : i32
    %dma_wait3A_179 = arith.constant 0 : i32
    %dma_wait3A_180 = tpu.memref_slice %arg7[%dma_wait3A_176, %dma_wait3A_178, %dma_wait3A_179] : memref<4x32x128xf32, #tpu.memory_space<vmem>> -> memref<1x8x128xf32, #tpu.memory_space<vmem>>
    %dma_wait3A_181 = tpu.memref_squeeze %dma_wait3A_180 : memref<1x8x128xf32, #tpu.memory_space<vmem>> -> memref<8x128xf32, #tpu.memory_space<vmem>>
    %dma_wait3A_182 = arith.constant 0 : i32
    %dma_wait3A_183 = arith.constant 0 : i32
    %dma_wait3A_184 = tpu.memref_slice %arg4[%dma_wait3A_182, %dma_wait3A_183] : memref<204800x128xf32, #tpu.memory_space<hbm>> -> memref<8x128xf32, #tpu.memory_space<hbm>>
    %dma_wait3A_185 = tpu.memref_slice %arg9[%dma_wait3A_177] : memref<4x!tpu.dma_semaphore, #tpu.memory_space<semaphore_mem>> -> memref<1x!tpu.dma_semaphore, #tpu.memory_space<semaphore_mem>>
    %dma_wait3A_186 = tpu.memref_squeeze %dma_wait3A_185 : memref<1x!tpu.dma_semaphore, #tpu.memory_space<semaphore_mem>> -> memref<!tpu.dma_semaphore, #tpu.memory_space<semaphore_mem>>
    %dma_wait3A_187 = arith.constant 0 : i32
    %dma_wait3A_188 = arith.constant 0 : i32
    %dma_wait3A_189 = tpu.memref_slice %arg4[%dma_wait3A_187, %dma_wait3A_188] : memref<204800x128xf32, #tpu.memory_space<hbm>> -> memref<8x128xf32, #tpu.memory_space<hbm>>
    %dma_wait3A_190 = arith.constant 0 : i32
    %dma_wait3A_191 = arith.constant 0 : i32
    %dma_wait3A_192 = tpu.memref_slice %arg7[%dma_wait3A_176, %dma_wait3A_190, %dma_wait3A_191] : memref<4x32x128xf32, #tpu.memory_space<vmem>> -> memref<1x8x128xf32, #tpu.memory_space<vmem>>
    %dma_wait3A_193 = tpu.memref_squeeze %dma_wait3A_192 : memref<1x8x128xf32, #tpu.memory_space<vmem>> -> memref<8x128xf32, #tpu.memory_space<vmem>>
    tpu.wait_dma2 semaphore(%dma_wait3A_186 : memref<!tpu.dma_semaphore, #tpu.memory_space<semaphore_mem>>) src(%dma_wait3A_193 : memref<8x128xf32, #tpu.memory_space<vmem>>) dst(%dma_wait3A_189 : memref<8x128xf32, #tpu.memory_space<hbm>>)
    %dma_wait3A_194 = arith.constant 2 : i32
    %dma_wait3A_195 = arith.constant 2 : i32
    %dma_wait3A_196 = arith.constant 0 : i32
    %dma_wait3A_197 = arith.constant 0 : i32
    %dma_wait3A_198 = tpu.memref_slice %arg7[%dma_wait3A_194, %dma_wait3A_196, %dma_wait3A_197] : memref<4x32x128xf32, #tpu.memory_space<vmem>> -> memref<1x8x128xf32, #tpu.memory_space<vmem>>
    %dma_wait3A_199 = tpu.memref_squeeze %dma_wait3A_198 : memref<1x8x128xf32, #tpu.memory_space<vmem>> -> memref<8x128xf32, #tpu.memory_space<vmem>>
    %dma_wait3A_200 = arith.constant 0 : i32
    %dma_wait3A_201 = arith.constant 0 : i32
    %dma_wait3A_202 = tpu.memref_slice %arg4[%dma_wait3A_200, %dma_wait3A_201] : memref<204800x128xf32, #tpu.memory_space<hbm>> -> memref<8x128xf32, #tpu.memory_space<hbm>>
    %dma_wait3A_203 = tpu.memref_slice %arg9[%dma_wait3A_195] : memref<4x!tpu.dma_semaphore, #tpu.memory_space<semaphore_mem>> -> memref<1x!tpu.dma_semaphore, #tpu.memory_space<semaphore_mem>>
    %dma_wait3A_204 = tpu.memref_squeeze %dma_wait3A_203 : memref<1x!tpu.dma_semaphore, #tpu.memory_space<semaphore_mem>> -> memref<!tpu.dma_semaphore, #tpu.memory_space<semaphore_mem>>
    %dma_wait3A_205 = arith.constant 0 : i32
    %dma_wait3A_206 = arith.constant 0 : i32
    %dma_wait3A_207 = tpu.memref_slice %arg4[%dma_wait3A_205, %dma_wait3A_206] : memref<204800x128xf32, #tpu.memory_space<hbm>> -> memref<8x128xf32, #tpu.memory_space<hbm>>
    %dma_wait3A_208 = arith.constant 0 : i32
    %dma_wait3A_209 = arith.constant 0 : i32
    %dma_wait3A_210 = tpu.memref_slice %arg7[%dma_wait3A_194, %dma_wait3A_208, %dma_wait3A_209] : memref<4x32x128xf32, #tpu.memory_space<vmem>> -> memref<1x8x128xf32, #tpu.memory_space<vmem>>
    %dma_wait3A_211 = tpu.memref_squeeze %dma_wait3A_210 : memref<1x8x128xf32, #tpu.memory_space<vmem>> -> memref<8x128xf32, #tpu.memory_space<vmem>>
    tpu.wait_dma2 semaphore(%dma_wait3A_204 : memref<!tpu.dma_semaphore, #tpu.memory_space<semaphore_mem>>) src(%dma_wait3A_211 : memref<8x128xf32, #tpu.memory_space<vmem>>) dst(%dma_wait3A_207 : memref<8x128xf32, #tpu.memory_space<hbm>>)
    %dma_wait3A_212 = arith.constant 2 : i32
    %dma_wait3A_213 = arith.constant 2 : i32
    %dma_wait3A_214 = arith.constant 0 : i32
    %dma_wait3A_215 = arith.constant 0 : i32
    %dma_wait3A_216 = tpu.memref_slice %arg7[%dma_wait3A_212, %dma_wait3A_214, %dma_wait3A_215] : memref<4x32x128xf32, #tpu.memory_space<vmem>> -> memref<1x8x128xf32, #tpu.memory_space<vmem>>
    %dma_wait3A_217 = tpu.memref_squeeze %dma_wait3A_216 : memref<1x8x128xf32, #tpu.memory_space<vmem>> -> memref<8x128xf32, #tpu.memory_space<vmem>>
    %dma_wait3A_218 = arith.constant 0 : i32
    %dma_wait3A_219 = arith.constant 0 : i32
    %dma_wait3A_220 = tpu.memref_slice %arg4[%dma_wait3A_218, %dma_wait3A_219] : memref<204800x128xf32, #tpu.memory_space<hbm>> -> memref<8x128xf32, #tpu.memory_space<hbm>>
    %dma_wait3A_221 = tpu.memref_slice %arg9[%dma_wait3A_213] : memref<4x!tpu.dma_semaphore, #tpu.memory_space<semaphore_mem>> -> memref<1x!tpu.dma_semaphore, #tpu.memory_space<semaphore_mem>>
    %dma_wait3A_222 = tpu.memref_squeeze %dma_wait3A_221 : memref<1x!tpu.dma_semaphore, #tpu.memory_space<semaphore_mem>> -> memref<!tpu.dma_semaphore, #tpu.memory_space<semaphore_mem>>
    %dma_wait3A_223 = arith.constant 0 : i32
    %dma_wait3A_224 = arith.constant 0 : i32
    %dma_wait3A_225 = tpu.memref_slice %arg4[%dma_wait3A_223, %dma_wait3A_224] : memref<204800x128xf32, #tpu.memory_space<hbm>> -> memref<8x128xf32, #tpu.memory_space<hbm>>
    %dma_wait3A_226 = arith.constant 0 : i32
    %dma_wait3A_227 = arith.constant 0 : i32
    %dma_wait3A_228 = tpu.memref_slice %arg7[%dma_wait3A_212, %dma_wait3A_226, %dma_wait3A_227] : memref<4x32x128xf32, #tpu.memory_space<vmem>> -> memref<1x8x128xf32, #tpu.memory_space<vmem>>
    %dma_wait3A_229 = tpu.memref_squeeze %dma_wait3A_228 : memref<1x8x128xf32, #tpu.memory_space<vmem>> -> memref<8x128xf32, #tpu.memory_space<vmem>>
    tpu.wait_dma2 semaphore(%dma_wait3A_222 : memref<!tpu.dma_semaphore, #tpu.memory_space<semaphore_mem>>) src(%dma_wait3A_229 : memref<8x128xf32, #tpu.memory_space<vmem>>) dst(%dma_wait3A_225 : memref<8x128xf32, #tpu.memory_space<hbm>>)
    %dma_wait3A_230 = arith.constant 2 : i32
    %dma_wait3A_231 = arith.constant 2 : i32
    %dma_wait3A_232 = arith.constant 0 : i32
    %dma_wait3A_233 = arith.constant 0 : i32
    %dma_wait3A_234 = tpu.memref_slice %arg7[%dma_wait3A_230, %dma_wait3A_232, %dma_wait3A_233] : memref<4x32x128xf32, #tpu.memory_space<vmem>> -> memref<1x8x128xf32, #tpu.memory_space<vmem>>
    %dma_wait3A_235 = tpu.memref_squeeze %dma_wait3A_234 : memref<1x8x128xf32, #tpu.memory_space<vmem>> -> memref<8x128xf32, #tpu.memory_space<vmem>>
    %dma_wait3A_236 = arith.constant 0 : i32
    %dma_wait3A_237 = arith.constant 0 : i32
    %dma_wait3A_238 = tpu.memref_slice %arg4[%dma_wait3A_236, %dma_wait3A_237] : memref<204800x128xf32, #tpu.memory_space<hbm>> -> memref<8x128xf32, #tpu.memory_space<hbm>>
    %dma_wait3A_239 = tpu.memref_slice %arg9[%dma_wait3A_231] : memref<4x!tpu.dma_semaphore, #tpu.memory_space<semaphore_mem>> -> memref<1x!tpu.dma_semaphore, #tpu.memory_space<semaphore_mem>>
    %dma_wait3A_240 = tpu.memref_squeeze %dma_wait3A_239 : memref<1x!tpu.dma_semaphore, #tpu.memory_space<semaphore_mem>> -> memref<!tpu.dma_semaphore, #tpu.memory_space<semaphore_mem>>
    %dma_wait3A_241 = arith.constant 0 : i32
    %dma_wait3A_242 = arith.constant 0 : i32
    %dma_wait3A_243 = tpu.memref_slice %arg4[%dma_wait3A_241, %dma_wait3A_242] : memref<204800x128xf32, #tpu.memory_space<hbm>> -> memref<8x128xf32, #tpu.memory_space<hbm>>
    %dma_wait3A_244 = arith.constant 0 : i32
    %dma_wait3A_245 = arith.constant 0 : i32
    %dma_wait3A_246 = tpu.memref_slice %arg7[%dma_wait3A_230, %dma_wait3A_244, %dma_wait3A_245] : memref<4x32x128xf32, #tpu.memory_space<vmem>> -> memref<1x8x128xf32, #tpu.memory_space<vmem>>
    %dma_wait3A_247 = tpu.memref_squeeze %dma_wait3A_246 : memref<1x8x128xf32, #tpu.memory_space<vmem>> -> memref<8x128xf32, #tpu.memory_space<vmem>>
    tpu.wait_dma2 semaphore(%dma_wait3A_240 : memref<!tpu.dma_semaphore, #tpu.memory_space<semaphore_mem>>) src(%dma_wait3A_247 : memref<8x128xf32, #tpu.memory_space<vmem>>) dst(%dma_wait3A_243 : memref<8x128xf32, #tpu.memory_space<hbm>>)
    %dma_wait3A_248 = arith.constant 3 : i32
    %dma_wait3A_249 = arith.constant 3 : i32
    %dma_wait3A_250 = arith.constant 0 : i32
    %dma_wait3A_251 = arith.constant 0 : i32
    %dma_wait3A_252 = tpu.memref_slice %arg7[%dma_wait3A_248, %dma_wait3A_250, %dma_wait3A_251] : memref<4x32x128xf32, #tpu.memory_space<vmem>> -> memref<1x8x128xf32, #tpu.memory_space<vmem>>
    %dma_wait3A_253 = tpu.memref_squeeze %dma_wait3A_252 : memref<1x8x128xf32, #tpu.memory_space<vmem>> -> memref<8x128xf32, #tpu.memory_space<vmem>>
    %dma_wait3A_254 = arith.constant 0 : i32
    %dma_wait3A_255 = arith.constant 0 : i32
    %dma_wait3A_256 = tpu.memref_slice %arg4[%dma_wait3A_254, %dma_wait3A_255] : memref<204800x128xf32, #tpu.memory_space<hbm>> -> memref<8x128xf32, #tpu.memory_space<hbm>>
    %dma_wait3A_257 = tpu.memref_slice %arg9[%dma_wait3A_249] : memref<4x!tpu.dma_semaphore, #tpu.memory_space<semaphore_mem>> -> memref<1x!tpu.dma_semaphore, #tpu.memory_space<semaphore_mem>>
    %dma_wait3A_258 = tpu.memref_squeeze %dma_wait3A_257 : memref<1x!tpu.dma_semaphore, #tpu.memory_space<semaphore_mem>> -> memref<!tpu.dma_semaphore, #tpu.memory_space<semaphore_mem>>
    %dma_wait3A_259 = arith.constant 0 : i32
    %dma_wait3A_260 = arith.constant 0 : i32
    %dma_wait3A_261 = tpu.memref_slice %arg4[%dma_wait3A_259, %dma_wait3A_260] : memref<204800x128xf32, #tpu.memory_space<hbm>> -> memref<8x128xf32, #tpu.memory_space<hbm>>
    %dma_wait3A_262 = arith.constant 0 : i32
    %dma_wait3A_263 = arith.constant 0 : i32
    %dma_wait3A_264 = tpu.memref_slice %arg7[%dma_wait3A_248, %dma_wait3A_262, %dma_wait3A_263] : memref<4x32x128xf32, #tpu.memory_space<vmem>> -> memref<1x8x128xf32, #tpu.memory_space<vmem>>
    %dma_wait3A_265 = tpu.memref_squeeze %dma_wait3A_264 : memref<1x8x128xf32, #tpu.memory_space<vmem>> -> memref<8x128xf32, #tpu.memory_space<vmem>>
    tpu.wait_dma2 semaphore(%dma_wait3A_258 : memref<!tpu.dma_semaphore, #tpu.memory_space<semaphore_mem>>) src(%dma_wait3A_265 : memref<8x128xf32, #tpu.memory_space<vmem>>) dst(%dma_wait3A_261 : memref<8x128xf32, #tpu.memory_space<hbm>>)
    %dma_wait3A_266 = arith.constant 3 : i32
    %dma_wait3A_267 = arith.constant 3 : i32
    %dma_wait3A_268 = arith.constant 0 : i32
    %dma_wait3A_269 = arith.constant 0 : i32
    %dma_wait3A_270 = tpu.memref_slice %arg7[%dma_wait3A_266, %dma_wait3A_268, %dma_wait3A_269] : memref<4x32x128xf32, #tpu.memory_space<vmem>> -> memref<1x8x128xf32, #tpu.memory_space<vmem>>
    %dma_wait3A_271 = tpu.memref_squeeze %dma_wait3A_270 : memref<1x8x128xf32, #tpu.memory_space<vmem>> -> memref<8x128xf32, #tpu.memory_space<vmem>>
    %dma_wait3A_272 = arith.constant 0 : i32
    %dma_wait3A_273 = arith.constant 0 : i32
    %dma_wait3A_274 = tpu.memref_slice %arg4[%dma_wait3A_272, %dma_wait3A_273] : memref<204800x128xf32, #tpu.memory_space<hbm>> -> memref<8x128xf32, #tpu.memory_space<hbm>>
    %dma_wait3A_275 = tpu.memref_slice %arg9[%dma_wait3A_267] : memref<4x!tpu.dma_semaphore, #tpu.memory_space<semaphore_mem>> -> memref<1x!tpu.dma_semaphore, #tpu.memory_space<semaphore_mem>>
    %dma_wait3A_276 = tpu.memref_squeeze %dma_wait3A_275 : memref<1x!tpu.dma_semaphore, #tpu.memory_space<semaphore_mem>> -> memref<!tpu.dma_semaphore, #tpu.memory_space<semaphore_mem>>
    %dma_wait3A_277 = arith.constant 0 : i32
    %dma_wait3A_278 = arith.constant 0 : i32
    %dma_wait3A_279 = tpu.memref_slice %arg4[%dma_wait3A_277, %dma_wait3A_278] : memref<204800x128xf32, #tpu.memory_space<hbm>> -> memref<8x128xf32, #tpu.memory_space<hbm>>
    %dma_wait3A_280 = arith.constant 0 : i32
    %dma_wait3A_281 = arith.constant 0 : i32
    %dma_wait3A_282 = tpu.memref_slice %arg7[%dma_wait3A_266, %dma_wait3A_280, %dma_wait3A_281] : memref<4x32x128xf32, #tpu.memory_space<vmem>> -> memref<1x8x128xf32, #tpu.memory_space<vmem>>
    %dma_wait3A_283 = tpu.memref_squeeze %dma_wait3A_282 : memref<1x8x128xf32, #tpu.memory_space<vmem>> -> memref<8x128xf32, #tpu.memory_space<vmem>>
    tpu.wait_dma2 semaphore(%dma_wait3A_276 : memref<!tpu.dma_semaphore, #tpu.memory_space<semaphore_mem>>) src(%dma_wait3A_283 : memref<8x128xf32, #tpu.memory_space<vmem>>) dst(%dma_wait3A_279 : memref<8x128xf32, #tpu.memory_space<hbm>>)
    %dma_wait3A_284 = arith.constant 3 : i32
    %dma_wait3A_285 = arith.constant 3 : i32
    %dma_wait3A_286 = arith.constant 0 : i32
    %dma_wait3A_287 = arith.constant 0 : i32
    %dma_wait3A_288 = tpu.memref_slice %arg7[%dma_wait3A_284, %dma_wait3A_286, %dma_wait3A_287] : memref<4x32x128xf32, #tpu.memory_space<vmem>> -> memref<1x8x128xf32, #tpu.memory_space<vmem>>
    %dma_wait3A_289 = tpu.memref_squeeze %dma_wait3A_288 : memref<1x8x128xf32, #tpu.memory_space<vmem>> -> memref<8x128xf32, #tpu.memory_space<vmem>>
    %dma_wait3A_290 = arith.constant 0 : i32
    %dma_wait3A_291 = arith.constant 0 : i32
    %dma_wait3A_292 = tpu.memref_slice %arg4[%dma_wait3A_290, %dma_wait3A_291] : memref<204800x128xf32, #tpu.memory_space<hbm>> -> memref<8x128xf32, #tpu.memory_space<hbm>>
    %dma_wait3A_293 = tpu.memref_slice %arg9[%dma_wait3A_285] : memref<4x!tpu.dma_semaphore, #tpu.memory_space<semaphore_mem>> -> memref<1x!tpu.dma_semaphore, #tpu.memory_space<semaphore_mem>>
    %dma_wait3A_294 = tpu.memref_squeeze %dma_wait3A_293 : memref<1x!tpu.dma_semaphore, #tpu.memory_space<semaphore_mem>> -> memref<!tpu.dma_semaphore, #tpu.memory_space<semaphore_mem>>
    %dma_wait3A_295 = arith.constant 0 : i32
    %dma_wait3A_296 = arith.constant 0 : i32
    %dma_wait3A_297 = tpu.memref_slice %arg4[%dma_wait3A_295, %dma_wait3A_296] : memref<204800x128xf32, #tpu.memory_space<hbm>> -> memref<8x128xf32, #tpu.memory_space<hbm>>
    %dma_wait3A_298 = arith.constant 0 : i32
    %dma_wait3A_299 = arith.constant 0 : i32
    %dma_wait3A_300 = tpu.memref_slice %arg7[%dma_wait3A_284, %dma_wait3A_298, %dma_wait3A_299] : memref<4x32x128xf32, #tpu.memory_space<vmem>> -> memref<1x8x128xf32, #tpu.memory_space<vmem>>
    %dma_wait3A_301 = tpu.memref_squeeze %dma_wait3A_300 : memref<1x8x128xf32, #tpu.memory_space<vmem>> -> memref<8x128xf32, #tpu.memory_space<vmem>>
    tpu.wait_dma2 semaphore(%dma_wait3A_294 : memref<!tpu.dma_semaphore, #tpu.memory_space<semaphore_mem>>) src(%dma_wait3A_301 : memref<8x128xf32, #tpu.memory_space<vmem>>) dst(%dma_wait3A_297 : memref<8x128xf32, #tpu.memory_space<hbm>>)
    %dma_wait3A_302 = arith.constant 3 : i32
    %dma_wait3A_303 = arith.constant 3 : i32
    %dma_wait3A_304 = arith.constant 0 : i32
    %dma_wait3A_305 = arith.constant 0 : i32
    %dma_wait3A_306 = tpu.memref_slice %arg7[%dma_wait3A_302, %dma_wait3A_304, %dma_wait3A_305] : memref<4x32x128xf32, #tpu.memory_space<vmem>> -> memref<1x8x128xf32, #tpu.memory_space<vmem>>
    %dma_wait3A_307 = tpu.memref_squeeze %dma_wait3A_306 : memref<1x8x128xf32, #tpu.memory_space<vmem>> -> memref<8x128xf32, #tpu.memory_space<vmem>>
    %dma_wait3A_308 = arith.constant 0 : i32
    %dma_wait3A_309 = arith.constant 0 : i32
    %dma_wait3A_310 = tpu.memref_slice %arg4[%dma_wait3A_308, %dma_wait3A_309] : memref<204800x128xf32, #tpu.memory_space<hbm>> -> memref<8x128xf32, #tpu.memory_space<hbm>>
    %dma_wait3A_311 = tpu.memref_slice %arg9[%dma_wait3A_303] : memref<4x!tpu.dma_semaphore, #tpu.memory_space<semaphore_mem>> -> memref<1x!tpu.dma_semaphore, #tpu.memory_space<semaphore_mem>>
    %dma_wait3A_312 = tpu.memref_squeeze %dma_wait3A_311 : memref<1x!tpu.dma_semaphore, #tpu.memory_space<semaphore_mem>> -> memref<!tpu.dma_semaphore, #tpu.memory_space<semaphore_mem>>
    %dma_wait3A_313 = arith.constant 0 : i32
    %dma_wait3A_314 = arith.constant 0 : i32
    %dma_wait3A_315 = tpu.memref_slice %arg4[%dma_wait3A_313, %dma_wait3A_314] : memref<204800x128xf32, #tpu.memory_space<hbm>> -> memref<8x128xf32, #tpu.memory_space<hbm>>
    %dma_wait3A_316 = arith.constant 0 : i32
    %dma_wait3A_317 = arith.constant 0 : i32
    %dma_wait3A_318 = tpu.memref_slice %arg7[%dma_wait3A_302, %dma_wait3A_316, %dma_wait3A_317] : memref<4x32x128xf32, #tpu.memory_space<vmem>> -> memref<1x8x128xf32, #tpu.memory_space<vmem>>
    %dma_wait3A_319 = tpu.memref_squeeze %dma_wait3A_318 : memref<1x8x128xf32, #tpu.memory_space<vmem>> -> memref<8x128xf32, #tpu.memory_space<vmem>>
    tpu.wait_dma2 semaphore(%dma_wait3A_312 : memref<!tpu.dma_semaphore, #tpu.memory_space<semaphore_mem>>) src(%dma_wait3A_319 : memref<8x128xf32, #tpu.memory_space<vmem>>) dst(%dma_wait3A_315 : memref<8x128xf32, #tpu.memory_space<hbm>>)
    return
  }
}

</mosaic_0001>

<sc_bundles>
// kernel: kernel.3.cloned.1.call-start
scs
__scs_entry_jumppad:
0x0: {  	(pc) =	sbr.rel $0x88, $3  }
0x1: {  	(tag) =	ssettag $0x0;
	lr =	simm.s32 $0x1  }
0x2: {  	[smem:$0x3F9F] =	sst lr;
	_ =	strace $0xD0000000  }
0x3: {  	_ = 	snop  }
0x4: {  	_ = 	snop  }
0x5: {  	_ = 	snop  }
0x6: {  	_ = 	snop  }
0x7: {  	_ = 	snop  }
__scs_overlays_trampoline_lowered:
0x8: {  	[smem:$0x3FAE] =	sst s0  }
0x9: {  	[smem:$0x3FAF] =	sst s1  }
0xa: {  	[smem:$0x3FB0] =	sst s2  }
0xb: {  	[smem:$0x3FB1] =	sst s3  }
0xc: {  	[smem:$0x3FB2] =	sst s4  }
0xd: {  	[smem:$0x3FB3] =	sst s5  }
0xe: {  	[smem:$0x3FB4] =	sst s6  }
0xf: {  	[smem:$0x3FB5] =	sst s7  }
0x10: {  	[smem:$0x3FB6] =	sst s8  }
0x11: {  	[smem:$0x3FB7] =	sst s9;
	s0 =	simm.s32 @!p0 $0x0  }
0x12: {  	s1 =	sld [smem:$0x3F9D];
	s0 =	simm.s32 @p0 $0x1  }
0x13: {  	[smem:$0x3FB8] =	sst s0;
	s0 =	simm.s32 @!p1 $0x0  }
0x14: {  	s2 =	sld [smem:$0x3F9C];
	s0 =	simm.s32 @p1 $0x1  }
0x15: {  	[smem:$0x3FB9] =	sst s0;
	s0 =	simm.s32 @!p2 $0x0  }
0x16: {  	s3 =	sld [smem:$0x3FDB];
	s0 =	simm.s32 @p2 $0x1  }
0x17: {  	s4 =	simm.s32 $0x1BF5;
	[smem:$0x3FBB] =	sst s0  }
0x18: {  	s0 =	sld [smem:$0x3F9E];
	_ =	swait.ge [sflag:s4], $0x0  }
0x19: {  	s7 =	sld [smem:$0x3F9F]  }
0x1a: {  	s8 =	sadd.s32 $0xFFFFE003, lr  }
0x1b: {  	s9 =	sadd.s32 $0xFFFFFEF7, lr;
	s5 =	simm.s32 $0xFFFFFFFF;
	p2 =	slt.u32 s8, $0xFFFFF086  }
0x1c: {  	p1 =	slt.u32 s9, $0xF7A;
	s5 =	simm.s32 @!p2 $0x0  }
0x1d: {  	s5 =	simm.s32 @p1 $0x1;
	p0 =	seq.s32 s7, s2  }
0x1e: {  	s7 =	smul.u32 @!p0 $0xF7A, s2;
	p2 =	seq.s32 @!p0 s5, $0x0  }
0x1f: {  	s9 =	smul.u32 $0xF7A, s1;
	s8 =	simm.s32 @!p0 $0x1BF5;
	p2 =	por !p2, p0  }
0x20: {  	[sflag:s8] =	ssyncset.s32 @!p0 $0xFFFFF086;
	s6 =	sadd.s32 @!p0 s3, s7;
	s7 =	simm.s32 @!p0 $0x108  }
0x21: {  	s3 =	sadd.s32 s3, s9;
	s6 =	sadd.s32 @!p0 $0x88, s6;
	s7 =	simm.s32 @p2 $0x1082  }
0x22: {  	[simem:s7], [sflag:s8] =	dma.local @!p0 [hbm:s6], $0xF7A  }
0x23: {  	s9 =	sor.u32 $0xD0000000, s2;
	s6 =	simm.s32 $0x108;
	_ =	swait.ge @!p0 [sflag:s8], $0x0  }
0x24: {  	s3 =	sadd.s32 $0x88, s3;
	s6 =	simm.s32 @!p1 $0x1082;
	[sflag:s4] =	ssyncset.s32 $0xFFFFF086  }
0x25: {  	[simem:s6], [sflag:s4] =	dma.local [hbm:s3], $0xF7A  }
0x26: {  	[smem:$0x3F9F] =	sst s1;
	(tag) =	ssettag s2;
	_ =	strace s9  }
0x27: {  	s1 =	sld [smem:$0x3FAF]  }
0x28: {  	s2 =	sld [smem:$0x3FB0]  }
0x29: {  	s4 =	sld [smem:$0x3FB2]  }
0x2a: {  	p0 =	seq.s32 s5, $0x0;
	s5 =	sld [smem:$0x3FB3]  }
0x2b: {  	s6 =	sld [smem:$0x3FB4]  }
0x2c: {  	s7 =	sld [smem:$0x3FB5]  }
0x2d: {  	s3 =	simm.s32 $0x108;
	s8 =	sld [smem:$0x3FB6]  }
0x2e: {  	s3 =	simm.s32 @!p0 $0x1082;
	s9 =	sld [smem:$0x3FB7]  }
0x2f: {  	lr =	sadd.s32 s0, s3;
	s0 =	sld [smem:$0x3FAE]  }
0x30: {  	s3 =	sld [smem:$0x3FB1]  }
0x31: {  	[smem:$0x3FBA] =	sst s10  }
0x32: {  	s10 =	sld [smem:$0x3FB8];
	_ =	sdelay $0x3  }
0x33: {  	p0 =	seq.s32 s10, $0x1;
	s10 =	sld [smem:$0x3FBA];
	_ =	sdelay $0x3  }
0x34: {  	[smem:$0x3FBA] =	sst s10  }
0x35: {  	s10 =	sld [smem:$0x3FB9];
	_ =	sdelay $0x3  }
0x36: {  	p1 =	seq.s32 s10, $0x1;
	s10 =	sld [smem:$0x3FBA];
	_ =	sdelay $0x3  }
0x37: {  	[smem:$0x3FBA] =	sst s10  }
0x38: {  	s10 =	sld [smem:$0x3FBB]  }
0x39: {  	_ = 	snop;
	(pc) =	sbr.ind lr, $3  }
0x3a: {  	_ = 	snop  }
0x3b: {  	_ = 	snop  }
0x3c: {  	p2 =	seq.s32 s10, $0x1;
	s10 =	sld [smem:$0x3FBA]  }
0x3d: {  	_ =	shalt  }
0x3e: {  	_ =	shalt  }
0x3f: {  	_ =	shalt  }
0x40: {  	_ =	shalt  }
0x41: {  	_ =	shalt  }
0x42: {  	_ =	shalt  }
0x43: {  	_ =	shalt  }
0x44: {  	_ =	shalt  }
0x45: {  	_ =	shalt  }
0x46: {  	_ =	shalt  }
0x47: {  	_ =	shalt  }
0x48: {  	_ =	shalt  }
0x49: {  	_ =	shalt  }
0x4a: {  	_ =	shalt  }
0x4b: {  	_ =	shalt  }
0x4c: {  	_ =	shalt  }
0x4d: {  	_ =	shalt  }
0x4e: {  	_ =	shalt  }
0x4f: {  	_ =	shalt  }
0x50: {  	_ =	shalt  }
0x51: {  	_ =	shalt  }
0x52: {  	_ =	shalt  }
0x53: {  	_ =	shalt  }
0x54: {  	_ =	shalt  }
0x55: {  	_ =	shalt  }
0x56: {  	_ =	shalt  }
0x57: {  	_ =	shalt  }
0x58: {  	_ =	shalt  }
0x59: {  	_ =	shalt  }
0x5a: {  	_ =	shalt  }
0x5b: {  	_ =	shalt  }
0x5c: {  	_ =	shalt  }
0x5d: {  	_ =	shalt  }
0x5e: {  	_ =	shalt  }
0x5f: {  	_ =	shalt  }
0x60: {  	_ =	shalt  }
0x61: {  	_ =	shalt  }
0x62: {  	_ =	shalt  }
0x63: {  	_ =	shalt  }
0x64: {  	_ =	shalt  }
0x65: {  	_ =	shalt  }
0x66: {  	_ =	shalt  }
0x67: {  	_ =	shalt  }
0x68: {  	_ =	shalt  }
0x69: {  	_ =	shalt  }
0x6a: {  	_ =	shalt  }
0x6b: {  	_ =	shalt  }
0x6c: {  	_ =	shalt  }
0x6d: {  	_ =	shalt  }
0x6e: {  	_ =	shalt  }
0x6f: {  	_ =	shalt  }
0x70: {  	_ =	shalt  }
0x71: {  	_ =	shalt  }
0x72: {  	_ =	shalt  }
0x73: {  	_ =	shalt  }
0x74: {  	_ =	shalt  }
0x75: {  	_ =	shalt  }
0x76: {  	_ =	shalt  }
0x77: {  	_ =	shalt  }
0x78: {  	_ =	shalt  }
0x79: {  	_ =	shalt  }
0x7a: {  	_ =	shalt  }
0x7b: {  	_ =	shalt  }
0x7c: {  	_ =	shalt  }
0x7d: {  	_ =	shalt  }
0x7e: {  	_ =	shalt  }
0x7f: {  	_ =	shalt  }
0x80: {  	_ =	shalt  }
0x81: {  	_ =	shalt  }
0x82: {  	_ =	shalt  }
0x83: {  	_ =	shalt  }
0x84: {  	_ =	shalt  }
0x85: {  	_ =	shalt  }
0x86: {  	_ =	shalt  }
0x87: {  	_ =	shalt  }
.Lfunc_end0:
.L_simem_size_0:
called_computation_lowered:
.L_overlay_start_0:
0x88: {  	s2 =	sld [smem:$0x3FD9]  }
0x89: {  	s3 =	sld [smem:$0x3FFE];
	_ =	sdelay $0x1  }
0x8a: {  	s1 =	srdreg.scid  }
0x8b: {  	s0 =	sand.u32 $0x1, s1  }
0x8c: {  	s17 =	sshll.u32 s0, $0xA;
	s2 =	sadd.s32 s3, s2  }
0x8d: {  	s2 =	sadd.s32 s2, s17  }
0x8e: {  	[smem:$0x3FC6] =	sst s2  }
0x8f: {  	_ = 	snop  }
0x90: {  	s2 =	sld [smem:$0x3FD0];
	(tm) =	ssettm $0x1  }
0x91: {  	s18 =	sld [smem:$0x3FFB];
	_ =	sdelay $0x3  }
0x92: {  	_ =	strace s18  }
0x93: {  	s3 =	sld [smem:$0x3FFC];
	_ =	sdelay $0x3  }
0x94: {  	_ =	strace s3  }
0x95: {  	s3 =	sld [smem:$0x3FFD];
	_ =	sdelay $0x3  }
0x96: {  	_ =	strace s3  }
0x97: {  	_ =	strace $0x8FFFFFFF  }
0x98: {  	s19 =	sld [smem:$0x3FDB];
	_ =	sdelay $0x1  }
0x99: {  	s4 =	simm.s32 $_scs_section_size  }
0x9a: {  	s5 =	simm.s32 $_size__tile_overlayer_lowered;
	s6 =	simm.s32 $_tile_overlayer_lowered  }
0x9b: {  	s22 =	simm.s32 $0x1BFF;
	s21 =	sshll.u32 s6, $0x1;
	s3 =	sadd.s32 s4, s19  }
0x9c: {  	s7 =	simm.s32 $0x0;
	s20 =	sshll.u32 s5, $0x1;
	s5 =	sadd.s32 s21, s3  }
0x9d: {  	[timem:s7], [sflag:s22] =	dma.local [hbm:s5], s20  }
0x9e: {  	_ =	swait.ge [sflag:s22], s20  }
0x9f: {  	s4 =	ssub.s32 $0x0, s20;
	[sflag:s22] =	ssyncset.done $0x0  }
0xa0: {  	[sflag:s22] =	ssyncadd.s32 s4;
	_ =	sdelay $0x1  }
0xa1: {  	s23 =	simm.s32 $0x1B8B  }
0xa2: {  	_ =	swait.ge [sflag:s23], $0x1  }
0xa3: {  	[sflag:s23] =	ssyncset.done $0x0  }
0xa4: {  	s25 =	simm.s32 $0x1B8E;
	s24 =	sld [smem:$0x3FFE];
	[sflag:s23] =	ssyncadd.s32 $0xFFFFFFFF  }
0xa5: {  	s26 =	simm.s32 $execute0_lowered;
	[smem:$0x3FD2] =	sst s25  }
0xa6: {  	s5 =	sshll.u32 s26, $0x1;
	_ =	strace $0x80000046;
	[dreg:$0x1] =	wrdreg $0xFFFFFFFF  }
0xa7: {  	s28 =	simm.s32 $_size_execute0_lowered;
	s3 =	sadd.s32 s3, s5;
	[dreg:$0x0] =	wrdreg $0x0  }
0xa8: {  	s5 =	sshll.u32 s28, $0x1;
	[dreg:$0x2] =	wrdreg s3  }
0xa9: {  	[dreg:$0x3] =	wrdreg s5  }
0xaa: {  	[dreg:$0x4] =	wrdreg $0xC0  }
0xab: {  	_ =	task [dreg:s7], $0x5FFFF  }
0xac: {  	[dreg:$0x1] =	wrdreg $0xFFFFFFFF  }
0xad: {  	[dreg:$0x0] =	wrdreg $0x60  }
0xae: {  	[dreg:$0x2] =	wrdreg s24  }
0xaf: {  	[dreg:$0x3] =	wrdreg s2  }
0xb0: {  	[dreg:$0x4] =	wrdreg $0x9  }
0xb1: {  	_ =	task.clear_ibuf [dreg:s7], $0x5FFFF;
	_ =	strace $0x90000046  }
0xb2: {  	s29 =	simm.s32 $0x9;
	_ =	strace $0x80000048  }
0xb3: {  	_ =	swait.ge [sflag:s29], $0x1  }
0xb4: {  	[sflag:s29] =	ssyncadd.s32 $0xFFFFFFFF  }
0xb5: {  	_ =	strace $0x90000048  }
0xb6: {  	_ =	sfence  }
0xb7: {  	s30 =	sld [smem:$0x0];
	_ =	sdelay $0x2  }
0xb8: {  	s31 =	sshll.u32 s1, $0xD;
	s1 =	sshrl.u32 s1, $0x2  }
0xb9: {  	s3 =	sand.u32 $0x4000, s31;
	s1 =	sadd.s32 s1, s30  }
0xba: {  	s0 =	sor.u32 s3, s0;
	s1 =	sshll.u32 s1, $0x11  }
0xbb: {  	s0 =	sor.u32 s1, s0  }
0xbc: {  	s0 =	sadd.s32 $0x8F2B, s0  }
0xbd: {  	[sflag:s0] =	ssyncadd.remote.s32 $0x1  }
0xbe: {  	_ =	sfence.sel $0xFFFF  }
0xbf: {  	[dreg:$0x0] =	wrdreg $0xFFFFFFFF;
	(pc) =	sbr.abs _section_cstart, $3  }
0xc0: {  	[dreg:$0x1] =	wrdreg $0xFFFFFFFF  }
0xc1: {  	_ =	task.clear_ibuf [dreg:s7], $0x2FFFF;
	_ =	strace $0x9FFFFFFF  }
0xc2: {  	(tm) =	ssettm $0x7FFFFFFF  }
0xc3: {  	_ =	shalt  }
tec
execute0_lowered:
.L_overlay_start_1:
0x0: {  	(tag) =	ssettag $0x1  }
0x1: {  	v0 =	vimm.s32 $0xFEDCBA9;
	v1 =	vimm.s32 $0x87654321  }
0x2: {  	v4 =	vimm.s32 $0x10FEDCBA;
	v6 =	vimm.s32 $0x98765432;
	v7 =	vimm.s32 $0x210FEDCB  }
0x3: {  	v8 =	vimm.s32 $0xA9876543;
	v9 =	vimm.s32 $0x7654321;
	v10 =	vimm.s32 $0xBA987654  }
0x4: {  	v11 =	vimm.s32 $0x43210FED;
	v12 =	vimm.s32 $0xCBA98765;
	v13 =	vimm.s32 $0x21076543  }
0x5: {  	v14 =	vimm.s32 $0x543210FE;
	v16 =	vimm.s32 $0xDCBA9876;
	v29 =	vimm.s32 $0xFEDCBA98  }
0x6: {  	v30 =	vimm.s32 $0x76543210;
	v62 =	vimm.s32 $0x65432107;
	v2 =	vunpack.c.l.s4.s8 v0  }
0x7: {  	v3 =	vunpack.c.l.s4.s8 v1;
	v0 =	vlaneseq.u32;
	v4 =	vunpack.c.l.s4.s8 v4  }
0x8: {  	v6 =	vunpack.c.l.s4.s8 v6;
	v7 =	vunpack.c.l.s4.s8 v7;
	v8 =	vunpack.c.l.s4.s8 v8  }
0x9: {  	v9 =	vunpack.c.l.s4.s8 v9;
	v10 =	vunpack.c.l.s4.s8 v10;
	v11 =	vunpack.c.l.s4.s8 v11  }
0xa: {  	v12 =	vunpack.c.l.s4.s8 v12;
	v13 =	vunpack.c.l.s4.s8 v13;
	v14 =	vunpack.c.l.s4.s8 v14  }
0xb: {  	v16 =	vunpack.c.l.s4.s8 v16;
	v29 =	vunpack.c.l.s4.s8 v29;
	v30 =	vunpack.c.l.s4.s8 v30  }
0xc: {  	v36 =	vmul.u32 $0x20, v0;
	v17 =	vunpack.c.0.s8.s32 v2;
	v18 =	vunpack.c.0.s8.s32 v3  }
0xd: {  	v2 =	vand.u32 $0x7, v0;
	v3 =	vshrl.u32 v0, $0x3;
	v35 =	vunpack.c.0.s8.s32 v4  }
0xe: {  	v20 =	vunpack.c.0.s8.s32 v6;
	v4 =	vimm.s32 $0x10765432;
	v21 =	vunpack.c.0.s8.s32 v7  }
0xf: {  	v22 =	vunpack.c.0.s8.s32 v8;
	v25 =	vunpack.c.0.s8.s32 v11;
	v26 =	vunpack.c.0.s8.s32 v12  }
0x10: {  	v1 =	vunpack.c.0.s8.s32 v13;
	v27 =	vunpack.c.0.s8.s32 v14;
	v28 =	vunpack.c.0.s8.s32 v16  }
0x11: {  	v14 =	vimm.s32 $0x54321076;
	v16 =	vimm.s32 $0xEDCBA987;
	v5 =	vcombine.low v18, v17  }
0x12: {  	v60 =	vunpack.c.0.s8.s32 v30;
	v3 =	vmul.u32 $0x8, v3;
	v7 =	vunpack.c.l.s4.s8 v4  }
0x13: {  	v4 =	vand.u32 $0xF, v5;
	v5 =	vunpack.c.0.s8.s32 v9;
	v9 =	vimm.s32 $0x3210FEDC  }
0x14: {  	v16 =	vunpack.c.l.s4.s8 v16;
	v6 =	vcombine.low v20, v35;
	v9 =	vunpack.c.l.s4.s8 v9  }
0x15: {  	v32 =	vunpack.c.l.s4.s8 v14;
	v8 =	vcombine.low v22, v21;
	v13 =	vcombine.low v26, v25  }
0x16: {  	v31 =	vcombine.low v28, v27;
	v23 =	vunpack.c.0.s8.s32 v9;
	v9 =	vunpack.c.0.s8.s32 v10  }
0x17: {  	v63 =	vcombine.low v17, v18;
	v20 =	vcombine.low v35, v20;
	v10 =	vimm.s32 $0x32107654  }
0x18: {  	v12 =	vunpack.c.l.s4.s8 v10;
	v10 =	vimm.s32 $0x43210765;
	v11 =	vcombine.low v9, v23  }
0x19: {  	s0 =	rddreg [dreg:$0x0];
	v18 =	vcombine.low v21, v22;
	v34 =	vunpack.c.0.s8.s32 v16;
	v15 =	vunpack.c.l.s4.s8 v10  }
0x1a: {  	s1 =	srdreg.scid;
	s3 =	stileid.u32;
	v16 =	vunpack.c.0.s8.s32 v29;
	v10 =	vand.u32 $0xF, v11;
	v11 =	vunpack.c.0.s8.s32 v12  }
0x1b: {  	s2 =	rddreg [dreg:$0x1];
	s4 =	sshll.u32 s3, $0x1;
	s3 =	simm.s32 $0x0;
	v12 =	vand.u32 $0xF, v13;
	v13 =	vunpack.c.0.s8.s32 v15;
	v15 =	vimm.s32 $0x6543210F  }
0x1c: {  	s11 =	simm.s32 $0x7;
	s12 =	simm.s32 $0x500;
	[smem:$0x7FF] =	sst s3;
	v14 =	vand.u32 $0xF, v31;
	v31 =	vunpack.c.l.s4.s8 v62;
	v15 =	vunpack.c.l.s4.s8 v15  }
0x1d: {  	s15 =	simm.s32 $0x3;
	s16 =	simm.s32 $0x4;
	_ =	strace $0x80000047;
	v26 =	vcombine.low v25, v26;
	[tilespmem:$0x1FFE0] =	vst v1;
	v21 =	vand.u32 $0xF, v63;
	v20 =	vand.u32 $0xF, v20  }
0x1e: {  	s17 =	simm.s32 $0x5;
	s18 =	simm.s32 $0x6;
	s1 =	sand.u32 $0x1, s1;
	v16 =	vand.u32 $0xF, v16;
	[tilespmem:$0x1FFB0] =	vst v21;
	v24 =	vunpack.c.0.s8.s32 v31;
	v33 =	vunpack.c.0.s8.s32 v15  }
0x1f: {  	s19 =	simm.s32 $0x0;
	s25 =	simm.s32 $0x0;
	s6 =	sor.u32 s1, s4;
	v7 =	vunpack.c.0.s8.s32 v7;
	v6 =	vand.u32 $0xF, v6;
	[tilespmem:$0x1FFC0] =	vst v20;
	v16 =	vcombine.low v16, v60  }
0x20: {  	s8 =	sadd.s32 $0x2000, s2;
	s1 =	ssub.s32 $0x2, s1;
	s4 =	smul.u32 $0xC80, s6;
	[tilespmem:$0x1FFA0] =	vst v24;
	v22 =	vcombine.low v23, v9;
	v23 =	vand.u32 $0xF, v18;
	v61 =	vcombine.low v34, v33  }
0x21: {  	s9 =	sadd.s32 $0x3000, s2;
	s5 =	sshrl.u32 s1, $0x1;
	s6 =	smul.u32 $0xC8, s6;
	v8 =	vand.u32 $0xF, v8;
	v9 =	vcombine.low v27, v28;
	[tilespmem:$0x1FFD0] =	vst v23;
	v25 =	vcombine.low v33, v34  }
0x22: {  	s31 =	ssub.s32 s1, s5;
	s7 =	sadd.s32 s4, s0;
	s4 =	sadd.s32 $0xF42A00, s0;
	v18 =	vand.u32 $0xF, v26;
	v22 =	vand.u32 $0xF, v22;
	[tilespmem:$0x1FFF0] =	vst v10;
	v19 =	vand.u32 $0xF, v61  }
0x23: {  	s10 =	smax.u32 s31, $0x1;
	s5 =	sadd.s32 $0x600, s7;
	s7 =	sadd.s32 $0x1000, s2;
	v17 =	vand.u32 $0xF, v9;
	v15 =	vunpack.c.0.s8.s32 v32;
	v9 =	vand.u32 $0xF, v25;
	[tilespmem:$0x1FF90] =	vst v19  }
.LBB2_1:
0x24: {  	[tilespmem:s3], [sflag:$0x7] =	stream.linear.gather [hbm4b:s5+s3], $0x6400, $0x38;
	[tilespmem:$0x1E400] =	vst v63  }
0x25: {  	_ =	swait.ge [sflag:s11], $0x6400  }
0x26: {  	[sflag:s11] =	ssyncset.done $0x0  }
0x27: {  	s0 =	simm.s32 $0x6400;
	[sflag:s11] =	ssyncadd.s32 $0xFFFF9C00  }
0x28: {  	[tilespmem:s0], [sflag:$0x1] =	stream.indirect.gather [hbm4b:s4+s12], $0x20, s3, s12, $0xb8;
	[tilespmem:$0x1E400] =	vst v63  }
0x29: {  	s31 =	simm.s32 $0x10400;
	s20 =	simm.s32 $0x0  }
0x2a: {  	[tilespmem:s31], [sflag:$0x2] =	stream.indirect.gather [hbm4b:s4+s12], $0x20, s12, s12, $0xb8;
	[tilespmem:$0x1E400] =	vst v63  }
.LBB2_2:
0x2b: {  	s0 =	sand.u32 $0x1, s20  }
0x2c: {  	s21 =	sadd.s32 $0x1, s0;
	s0 =	smul.u32 $0x28000, s0  }
0x2d: {  	s23 =	smul.u32 $0xA, s20;
	_ =	swait.ge [sflag:s21], $0xA000  }
0x2e: {  	s26 =	simm.s32 $0x0;
	[sflag:s21] =	ssyncset.done $0x0;
	s0 =	sshrl.u32 s0, $0x2  }
0x2f: {  	s24 =	sadd.s32 s6, s23;
	[sflag:s21] =	ssyncadd.s32 $0xFFFF6000;
	s22 =	sadd.s32 $0x6400, s0  }
.LBB2_3:
0x30: {  	s29 =	sshll.u32 s26, $0x7;
	s0 =	sand.u32 $0x70, s25;
	s30 =	simm.s32 $0x0  }
0x31: {  	s1 =	sor.u32 s29, s0;
	s14 =	sand.u32 $0x10, s30  }
0x32: {  	v43 =	vor.u32 s0, v3;
	v26 =	vmov s1;
	v30 =	vor.u32 s14, v0  }
0x33: {  	v27 =	vor.u32 s14, v9;
	v31 =	vor.u32 s14, v4;
	v32 =	vor.u32 s14, v6  }
0x34: {  	v33 =	vor.u32 s14, v8;
	v34 =	vor.u32 s14, v10;
	v35 =	vor.u32 s14, v12  }
0x35: {  	v37 =	vor.u32 s14, v19;
	v38 =	vor.u32 s14, v16;
	v60 =	vor.u32 s14, v21  }
0x36: {  	s31 =	sadd.s32 s23, s26;
	v40 =	vor.u32 s14, v20;
	v41 =	vor.u32 s14, v23;
	v42 =	vor.u32 s14, v22  }
0x37: {  	s28 =	sand.u32 $0x3, s26;
	p0 =	slt.u32 s31, $0x4;
	v44 =	vor.u32 s14, v18;
	v46 =	vor.u32 s14, v17;
	v26 =	vshll.u32 v26, $0x5  }
0x38: {  	s31 =	sadd.s32 @!p0 $0x3, s28;
	v29 =	vand.u32 $0x18, v27;
	v27 =	vshll.u32 v27, $0x7;
	v52 =	vand.u32 $0x18, v30  }
0x39: {  	_ =	swait.ge @!p0 [sflag:s31], $0x400;
	v53 =	vand.u32 $0x18, v31;
	v54 =	vand.u32 $0x18, v32;
	v55 =	vand.u32 $0x18, v33  }
0x3a: {  	v56 =	vand.u32 $0x18, v34;
	v57 =	vand.u32 $0x18, v35;
	v59 =	vand.u32 $0x18, v37;
	[sflag:s31] =	ssyncset.done @!p0 $0x0  }
0x3b: {  	v31 =	vshll.u32 v31, $0x7;
	v33 =	vshll.u32 v33, $0x7;
	v26 =	vor.u32 v36, v26;
	[sflag:s31] =	ssyncadd.s32 @!p0 $0xFFFFFC00  }
0x3c: {  	v27 =	vor.u32 v43, v27;
	v28 =	vor.u32 v24, v26;
	v45 =	vor.u32 v2, v26;
	_ =	swait.ge @!p0 [sflag:s31], $0x400  }
0x3d: {  	v47 =	vor.u32 v5, v26;
	v48 =	vor.u32 v7, v26;
	v63 =	vor.u32 v2, v27;
	[sflag:s31] =	ssyncset.done @!p0 $0x0  }
0x3e: {  	v29 =	vor.u32 v29, v28;
	v62 =	vor.u32 v59, v28;
	v28 =	vand.u32 $0x18, v38;
	[sflag:s31] =	ssyncadd.s32 @!p0 $0xFFFFFC00  }
0x3f: {  	v27 =	vor.u32 v1, v26;
	v59 =	vor.u32 v28, v45;
	v28 =	vand.u32 $0x18, v60;
	_ =	swait.ge @!p0 [sflag:s31], $0x400  }
0x40: {  	v53 =	vor.u32 v53, v47;
	v61 =	vor.u32 v28, v47;
	v28 =	vand.u32 $0x18, v40;
	[sflag:s31] =	ssyncset.done @!p0 $0x0  }
0x41: {  	v47 =	vor.u32 v54, v48;
	v1 =	vor.u32 v28, v48;
	v48 =	vor.u32 v55, v27;
	[sflag:s31] =	ssyncadd.s32 @!p0 $0xFFFFFC00  }
0x42: {  	v39 =	vshll.u32 v34, $0x7;
	v49 =	vshll.u32 v35, $0x7;
	v37 =	vshll.u32 v37, $0x7;
	_ =	swait.ge @!p0 [sflag:s31], $0x400  }
0x43: {  	v0 =	vmovc v36;
	v35 =	vshll.u32 v46, $0x7;
	v36 =	vor.u32 s14, v14;
	v50 =	vor.u32 v11, v26;
	[sflag:s31] =	ssyncset.done @!p0 $0x0  }
0x44: {  	v25 =	vmovc v22;
	v19 =	vmovc v11;
	v51 =	vor.u32 v13, v26;
	v52 =	vor.u32 v52, v45;
	v28 =	vand.u32 $0x18, v41;
	[sflag:s31] =	ssyncadd.s32 @!p0 $0xFFFFFC00  }
0x45: {  	v20 =	vmovc v12;
	v26 =	vor.u32 v15, v26;
	v10 =	vor.u32 v28, v27;
	v27 =	vand.u32 $0x18, v42;
	v55 =	vld.idx.msk [tilespmem:v29+s22+$0x0], $0xffff  }
0x46: {  	v12 =	vmovc v4;
	v58 =	vand.u32 $0x18, v36;
	v54 =	vor.u32 v56, v50;
	v28 =	vor.u32 v27, v50;
	v34 =	vld.idx.msk [tilespmem:v48+s22+$0x0], $0xffff  }
0x47: {  	v21 =	vmovc v13;
	v50 =	vor.u32 v57, v51;
	v57 =	vshll.u32 v60, $0x7;
	v60 =	vor.u32 v43, v39;
	v39 =	vld.idx.msk [tilespmem:v62+s22+$0x0], $0xffff  }
0x48: {  	v22 =	vmovc v14;
	v23 =	vmovc v15;
	v56 =	vor.u32 v43, v33;
	v27 =	vand.u32 $0x18, v44;
	v29 =	vand.u32 $0x18, v46;
	v33 =	vld.idx.msk [tilespmem:v61+s22+$0x0], $0xffff  }
0x49: {  	v27 =	vor.u32 v27, v51;
	v51 =	vor.u32 v58, v26;
	v26 =	vor.u32 v29, v26;
	v29 =	vld.idx.msk [tilespmem:v52+s22+$0x0], $0xffff  }
0x4a: {  	v14 =	vmovc v6;
	v11 =	vmovc v3;
	v41 =	vshll.u32 v41, $0x7;
	v42 =	vshll.u32 v42, $0x7;
	v52 =	vshll.u32 v30, $0x7;
	v30 =	vld.idx.msk [tilespmem:v53+s22+$0x0], $0xffff  }
0x4b: {  	v13 =	vmovc v5;
	v15 =	vmovc v7;
	v58 =	vshll.u32 v40, $0x7;
	v48 =	vshll.u32 v38, $0x7;
	v53 =	vshll.u32 v32, $0x7;
	v32 =	vld.idx.msk [tilespmem:v47+s22+$0x0], $0xffff  }
0x4c: {  	v24 =	vmovc v16;
	v16 =	vmovc v8;
	v46 =	vor.u32 v43, v41;
	v47 =	vshll.u32 v36, $0x7;
	v36 =	vld.idx.msk [tilespmem:v54+s22+$0x0], $0xffff;
	v54 =	vshll.u32 v44, $0x7  }
0x4d: {  	v38 =	vld.idx.msk [tilespmem:v50+s22+$0x0], $0xffff;
	v50 =	vor.u32 v43, v48;
	v48 =	vor.u32 v43, v57;
	v44 =	vor.u32 v43, v42  }
0x4e: {  	s31 =	sshll.u32 s28, $0xC;
	v42 =	vor.u32 v43, v35;
	v35 =	vld.idx.msk [tilespmem:v10+s22+$0x0], $0xffff;
	v45 =	vor.u32 v43, v53;
	v53 =	vor.u32 v43, v37  }
0x4f: {  	s1 =	sadd.s32 $0x1A400, s31;
	v40 =	vld.idx.msk [tilespmem:v51+s22+$0x0], $0xffff;
	v41 =	vor.u32 v43, v54;
	v51 =	vor.u32 v2, v45;
	v45 =	vor.u32 v2, v56  }
0x50: {  	v10 =	vmov v0;
	[tilespmem:v63+s1+$0x0] =	vst.idx.msk $0xffff, v55;
	v55 =	vor.u32 v43, v52;
	v63 =	vor.u32 v43, v31  }
0x51: {  	v37 =	vld.idx.msk [tilespmem:v1+s22+$0x0], $0xffff;
	v52 =	vor.u32 v43, v49;
	v49 =	vor.u32 v43, v47;
	v55 =	vor.u32 v2, v55  }
0x52: {  	s0 =	simm.s32 $0x8;
	v31 =	vld.idx.msk [tilespmem:v59+s22+$0x0], $0xffff;
	v47 =	vor.u32 v43, v58;
	v43 =	vor.u32 v2, v60;
	v54 =	vor.u32 v2, v63  }
.LBB2_4:
0x53: {  	s13 =	sand.u32 $0x70, s0  }
0x54: {  	s30 =	sadd.s32 $0x10, s30;
	s14 =	sor.u32 s29, s13  }
0x55: {  	v56 =	vld.idx.msk [tilespmem:v27+s22+$0x0], $0xffff;
	v0 =	vlaneseq.u32;
	v27 =	vmov s14;
	s14 =	sand.u32 $0x10, s30  }
0x56: {  	[tilespmem:v55+s1+$0x0] =	vst.idx.msk $0xffff, v29;
	v55 =	vor.u32 s14, v0;
	v0 =	vld [tilespmem:$0x1FFA0];
	_ =	sdelay $0x2  }
0x57: {  	v57 =	vld.idx.msk [tilespmem:v26+s22+$0x0], $0xffff;
	v26 =	vshll.u32 v27, $0x5  }
0x58: {  	v26 =	vor.u32 v10, v26  }
0x59: {  	v29 =	vor.u32 v0, v26;
	v0 =	vld [tilespmem:$0x1FFF0];
	_ =	sdelay $0x4  }
0x5a: {  	[tilespmem:v45+s1+$0x0] =	vst.idx.msk $0xffff, v34;
	v34 =	vor.u32 s14, v0;
	v0 =	vld [tilespmem:$0x1FF90];
	_ =	sdelay $0x2  }
0x5b: {  	v52 =	vor.u32 v2, v52;
	v49 =	vor.u32 v2, v49;
	v53 =	vor.u32 v2, v53  }
0x5c: {  	v50 =	vor.u32 v2, v50;
	v48 =	vor.u32 v2, v48;
	v47 =	vor.u32 v2, v47  }
0x5d: {  	v46 =	vor.u32 v2, v46;
	v44 =	vor.u32 v2, v44;
	[tilespmem:v43+s1+$0x0] =	vst.idx.msk $0xffff, v36;
	v36 =	vor.u32 s14, v0;
	v0 =	vld [tilespmem:$0x1FFB0]  }
0x5e: {  	v41 =	vor.u32 v2, v41;
	v42 =	vor.u32 v2, v42;
	v61 =	vor.u32 s13, v11;
	[tilespmem:v54+s1+$0x0] =	vst.idx.msk $0xffff, v30  }
0x5f: {  	v27 =	vor.u32 s14, v9;
	v30 =	vor.u32 s14, v12;
	[tilespmem:v51+s1+$0x0] =	vst.idx.msk $0xffff, v32;
	v32 =	vor.u32 s14, v14  }
0x60: {  	v51 =	vor.u32 s14, v16;
	v58 =	vor.u32 s14, v22;
	v7 =	vand.u32 $0x18, v27  }
0x61: {  	v43 =	vor.u32 s14, v24;
	v60 =	vor.u32 s14, v25;
	v54 =	vor.u32 v7, v29  }
0x62: {  	v45 =	vor.u32 s14, v20;
	v27 =	vshll.u32 v27, $0x7;
	[tilespmem:v52+s1+$0x0] =	vst.idx.msk $0xffff, v38;
	v59 =	vor.u32 s14, v0;
	v0 =	vld [tilespmem:$0x1FFC0]  }
0x63: {  	v3 =	vand.u32 $0x18, v55;
	v4 =	vand.u32 $0x18, v30;
	[tilespmem:v49+s1+$0x0] =	vst.idx.msk $0xffff, v40;
	v40 =	vor.u32 s14, v18  }
0x64: {  	[tilespmem:v53+s1+$0x0] =	vst.idx.msk $0xffff, v39;
	v39 =	vor.u32 v2, v26;
	v49 =	vor.u32 s14, v17;
	v27 =	vor.u32 v61, v27  }
0x65: {  	v62 =	vor.u32 v15, v26;
	v1 =	vor.u32 v21, v26;
	[tilespmem:v50+s1+$0x0] =	vst.idx.msk $0xffff, v31;
	v31 =	vand.u32 $0x18, v32  }
0x66: {  	v50 =	vand.u32 $0x18, v51;
	[tilespmem:v48+s1+$0x0] =	vst.idx.msk $0xffff, v33;
	v33 =	vand.u32 $0x18, v45;
	v3 =	vor.u32 v3, v39;
	v53 =	vld.idx.msk [tilespmem:v54+s22+$0x0], $0xffff  }
0x67: {  	v48 =	vand.u32 $0x18, v58;
	[tilespmem:v47+s1+$0x0] =	vst.idx.msk $0xffff, v37;
	v27 =	vor.u32 v2, v27;
	v38 =	vor.u32 s14, v0;
	v0 =	vld [tilespmem:$0x1FFD0]  }
0x68: {  	v37 =	vand.u32 $0x18, v43;
	[tilespmem:v42+s1+$0x0] =	vst.idx.msk $0xffff, v57;
	v42 =	vshll.u32 v43, $0x7;
	v31 =	vor.u32 v31, v62  }
0x69: {  	v28 =	vld.idx.msk [tilespmem:v28+s22+$0x0], $0xffff;
	[tilespmem:v46+s1+$0x0] =	vst.idx.msk $0xffff, v35;
	v8 =	vand.u32 $0x18, v40;
	v35 =	vand.u32 $0x18, v49;
	v33 =	vor.u32 v33, v1  }
0x6a: {  	[tilespmem:v41+s1+$0x0] =	vst.idx.msk $0xffff, v56;
	v37 =	vor.u32 v37, v39;
	v54 =	vor.u32 v13, v26;
	v6 =	vand.u32 $0x18, v36  }
0x6b: {  	v5 =	vand.u32 $0x18, v34;
	v4 =	vor.u32 v4, v54;
	v6 =	vor.u32 v6, v29;
	v29 =	vld.idx.msk [tilespmem:v3+s22+$0x0], $0xffff  }
0x6c: {  	[tilespmem:v27+s1+$0x0] =	vst.idx.msk $0xffff, v53;
	v53 =	vand.u32 $0x18, v60;
	v41 =	vshll.u32 v36, $0x7;
	v52 =	vor.u32 s14, v0;
	v0 =	vld [tilespmem:$0x1FFE0]  }
0x6d: {  	v3 =	vshll.u32 v32, $0x7;
	v32 =	vld.idx.msk [tilespmem:v31+s22+$0x0], $0xffff;
	v31 =	vshll.u32 v45, $0x7;
	v45 =	vshll.u32 v60, $0x7  }
0x6e: {  	v60 =	vshll.u32 v40, $0x7;
	v3 =	vor.u32 v61, v3;
	v47 =	vand.u32 $0x18, v59  }
0x6f: {  	[tilespmem:v44+s1+$0x0] =	vst.idx.msk $0xffff, v28;
	v43 =	vshll.u32 v59, $0x7;
	v7 =	vand.u32 $0x18, v38;
	v44 =	vshll.u32 v38, $0x7  }
0x70: {  	v54 =	vor.u32 v47, v54;
	v7 =	vor.u32 v7, v62;
	v47 =	vor.u32 v61, v44  }
0x71: {  	v44 =	vor.u32 v61, v45;
	v27 =	vand.u32 $0x18, v52;
	v63 =	vor.u32 v0, v26  }
0x72: {  	v0 =	vor.u32 v19, v26;
	v26 =	vor.u32 v23, v26;
	v50 =	vor.u32 v50, v63  }
0x73: {  	v39 =	vld.idx.msk [tilespmem:v6+s22+$0x0], $0xffff;
	v5 =	vor.u32 v5, v0;
	v46 =	vor.u32 v48, v26;
	v62 =	vor.u32 v27, v63  }
0x74: {  	v38 =	vld.idx.msk [tilespmem:v33+s22+$0x0], $0xffff;
	v28 =	vor.u32 v53, v0;
	v27 =	vor.u32 v8, v1;
	v0 =	vshll.u32 v55, $0x7  }
0x75: {  	v1 =	vshll.u32 v30, $0x7;
	v26 =	vor.u32 v35, v26;
	v30 =	vld.idx.msk [tilespmem:v4+s22+$0x0], $0xffff;
	v4 =	vshll.u32 v51, $0x7  }
0x76: {  	v33 =	vld.idx.msk [tilespmem:v54+s22+$0x0], $0xffff;
	v8 =	vshll.u32 v34, $0x7;
	v35 =	vshll.u32 v58, $0x7;
	v63 =	vshll.u32 v49, $0x7  }
0x77: {  	p0 =	slt.u32 s30, $0xF0;
	v53 =	vor.u32 v61, v41;
	v48 =	vor.u32 v61, v43;
	v41 =	vor.u32 v61, v60;
	v34 =	vld.idx.msk [tilespmem:v50+s22+$0x0], $0xffff  }
.Ltmp0:
0x78: {  	v51 =	vor.u32 v2, v3;
	v0 =	vor.u32 v61, v0;
	v1 =	vor.u32 v61, v1;
	v36 =	vld.idx.msk [tilespmem:v5+s22+$0x0], $0xffff;
	(pc) =	sbr.rel @p0 .LBB2_4-.Ltmp0, $4  }
0x79: {  	v4 =	vor.u32 v61, v4;
	v8 =	vor.u32 v61, v8;
	v49 =	vor.u32 v61, v35;
	v40 =	vld.idx.msk [tilespmem:v46+s22+$0x0], $0xffff  }
0x7a: {  	v55 =	vor.u32 v2, v0;
	v5 =	vshll.u32 v52, $0x7;
	v52 =	vor.u32 v61, v31;
	v31 =	vld.idx.msk [tilespmem:v37+s22+$0x0], $0xffff  }
0x7b: {  	v54 =	vor.u32 v2, v1;
	v45 =	vor.u32 v2, v4;
	v43 =	vor.u32 v2, v8;
	v37 =	vld.idx.msk [tilespmem:v7+s22+$0x0], $0xffff  }
0x7c: {  	s0 =	sadd.s32 $0x8, s0;
	v50 =	vor.u32 v61, v42;
	v42 =	vor.u32 v61, v63;
	v35 =	vld.idx.msk [tilespmem:v62+s22+$0x0], $0xffff;
	v46 =	vor.u32 v61, v5  }
0x7d: {  	_ =	sdelay $0x3  }
0x7e: {  	v0 =	vor.u32 v2, v52;
	[tilespmem:v55+s1+$0x0] =	vst.idx.msk $0xffff, v29  }
0x7f: {  	v1 =	vor.u32 v2, v49;
	[tilespmem:v54+s1+$0x0] =	vst.idx.msk $0xffff, v30  }
0x80: {  	v3 =	vor.u32 v2, v53;
	[tilespmem:v51+s1+$0x0] =	vst.idx.msk $0xffff, v32  }
0x81: {  	v4 =	vor.u32 v2, v50;
	[tilespmem:v45+s1+$0x0] =	vst.idx.msk $0xffff, v34  }
0x82: {  	v5 =	vor.u32 v2, v48;
	[tilespmem:v43+s1+$0x0] =	vst.idx.msk $0xffff, v36  }
0x83: {  	v6 =	vor.u32 v2, v47;
	[tilespmem:v0+s1+$0x0] =	vst.idx.msk $0xffff, v38  }
0x84: {  	v0 =	vor.u32 v2, v46;
	[tilespmem:v1+s1+$0x0] =	vst.idx.msk $0xffff, v40  }
0x85: {  	v7 =	vor.u32 v2, v44;
	v1 =	vld.idx.msk [tilespmem:v28+s22+$0x0], $0xffff;
	[tilespmem:v3+s1+$0x0] =	vst.idx.msk $0xffff, v39  }
0x86: {  	v8 =	vor.u32 v2, v41;
	v3 =	vld.idx.msk [tilespmem:v27+s22+$0x0], $0xffff;
	[tilespmem:v4+s1+$0x0] =	vst.idx.msk $0xffff, v31  }
0x87: {  	s0 =	sadd.s32 s26, s24;
	v4 =	vld.idx.msk [tilespmem:v26+s22+$0x0], $0xffff;
	v26 =	vor.u32 v2, v42;
	[tilespmem:v5+s1+$0x0] =	vst.idx.msk $0xffff, v33  }
0x88: {  	s13 =	sand.u32 $0x1F, s0;
	s14 =	sshll.u32 s0, $0xC;
	[tilespmem:v6+s1+$0x0] =	vst.idx.msk $0xffff, v37  }
0x89: {  	s14 =	sand.u32 $0xFFFE0000, s14;
	s29 =	sshll.u32 s13, $0xA;
	[tilespmem:v0+s1+$0x0] =	vst.idx.msk $0xffff, v35  }
0x8a: {  	s28 =	sadd.s32 $0x3, s28;
	s0 =	sshll.u32 s0, $0x9;
	s14 =	sor.u32 s29, s14;
	[tilespmem:v7+s1+$0x0] =	vst.idx.msk $0xffff, v1  }
0x8b: {  	s13 =	sshll.u32 s13, $0x7;
	s0 =	sand.u32 $0x1FFFC000, s0;
	s14 =	sshrl.u32 s14, $0x3;
	[tilespmem:v8+s1+$0x0] =	vst.idx.msk $0xffff, v3  }
0x8c: {  	s26 =	sadd.s32 $0x1, s26;
	s0 =	sor.u32 s13, s0;
	s14 =	sadd.s32 s2, s14;
	[tilespmem:v26+s1+$0x0] =	vst.idx.msk $0xffff, v4  }
0x8d: {  	[hbm4b:s14+s3] =	stream.linear.scatter [tilespmem:s1], [sflag:s28], $0x400, $0x38;
	[tilespmem:$0x1E400] =	vst v63  }
0x8e: {  	p0 =	sne.s32 s26, $0xA;
	s1 =	sadd.s32 s0, s7;
	s14 =	sadd.s32 $0x1A800, s31;
	v1 =	vld [tilespmem:$0x1FFE0]  }
0x8f: {  	v36 =	vmov v10;
	v10 =	vld [tilespmem:$0x1FFF0];
	[hbm4b:s1+s3] =	stream.linear.scatter [tilespmem:s14], [sflag:s28], $0x400, $0x38  }
.Ltmp1:
0x90: {  	v3 =	vmov v11;
	v11 =	vmov v19;
	v19 =	vld [tilespmem:$0x1FF90];
	(pc) =	sbr.rel @p0 .LBB2_3-.Ltmp1, $4  }
0x91: {  	s30 =	sadd.s32 $0x1AC00, s31;
	s29 =	sadd.s32 s0, s8;
	v8 =	vmov v16;
	v16 =	vmov v24;
	v24 =	vld [tilespmem:$0x1FFA0]  }
0x92: {  	v5 =	vmov v13;
	v13 =	vmov v21;
	v21 =	vld [tilespmem:$0x1FFB0];
	[hbm4b:s29+s3] =	stream.linear.scatter [tilespmem:s30], [sflag:s28], $0x400, $0x38  }
0x93: {  	v6 =	vmov v14;
	v4 =	vmov v12;
	v12 =	vmov v20;
	s0 =	sadd.s32 s0, s9;
	s31 =	sadd.s32 $0x1B000, s31;
	v20 =	vld [tilespmem:$0x1FFC0]  }
0x94: {  	v14 =	vmovc v22;
	v22 =	vmovc v25;
	v0 =	vlaneseq.u32;
	v7 =	vmov v15;
	v15 =	vmov v23;
	v23 =	vld [tilespmem:$0x1FFD0];
	[hbm4b:s0+s3] =	stream.linear.scatter [tilespmem:s31], [sflag:s28], $0x400, $0x38  }
0x95: {  	p0 =	sgt.u32 s20, $0x11  }
0x96: {  	s0 =	smul.u32 @!p0 $0x1400, s20;
	_ =	sdelay $0x1  }
0x97: {  	s0 =	sshra.s32 @!p0 s0, $0x2  }
0x98: {  	s1 =	simm.s32 @!p0 $0x500;
	s20 =	sadd.s32 $0x1, s20;
	s0 =	sadd.s32 @!p0 $0xA00, s0  }
0x99: {  	[tilespmem:s22], [sflag:s21] =	stream.indirect.gather @!p0 [hbm4b:s4+s1], $0x20, s0, s1, $0xb8;
	[tilespmem:$0x1E400] =	vst v63  }
0x9a: {  	p0 =	sne.s32 s20, $0x14  }
.Ltmp2:
0x9b: {  	_ = 	snop;
	(pc) =	sbr.rel @p0 .LBB2_2-.Ltmp2, $1  }
0x9c: {  	_ =	sdelay $0x3  }
0x9d: {  	_ =	swait.ge [sflag:s15], $0x400  }
0x9e: {  	[sflag:s15] =	ssyncset.done $0x0  }
0x9f: {  	[sflag:s15] =	ssyncadd.s32 $0xFFFFFC00  }
0xa0: {  	_ =	swait.ge [sflag:s15], $0x400  }
0xa1: {  	[sflag:s15] =	ssyncset.done $0x0  }
0xa2: {  	[sflag:s15] =	ssyncadd.s32 $0xFFFFFC00  }
0xa3: {  	_ =	swait.ge [sflag:s15], $0x400  }
0xa4: {  	[sflag:s15] =	ssyncset.done $0x0  }
0xa5: {  	[sflag:s15] =	ssyncadd.s32 $0xFFFFFC00  }
0xa6: {  	_ =	swait.ge [sflag:s15], $0x400  }
0xa7: {  	[sflag:s15] =	ssyncset.done $0x0  }
0xa8: {  	[sflag:s15] =	ssyncadd.s32 $0xFFFFFC00  }
0xa9: {  	_ =	swait.ge [sflag:s16], $0x400  }
0xaa: {  	[sflag:s16] =	ssyncset.done $0x0  }
0xab: {  	[sflag:s16] =	ssyncadd.s32 $0xFFFFFC00  }
0xac: {  	_ =	swait.ge [sflag:s16], $0x400  }
0xad: {  	[sflag:s16] =	ssyncset.done $0x0  }
0xae: {  	[sflag:s16] =	ssyncadd.s32 $0xFFFFFC00  }
0xaf: {  	_ =	swait.ge [sflag:s16], $0x400  }
0xb0: {  	[sflag:s16] =	ssyncset.done $0x0  }
0xb1: {  	[sflag:s16] =	ssyncadd.s32 $0xFFFFFC00  }
0xb2: {  	_ =	swait.ge [sflag:s16], $0x400  }
0xb3: {  	[sflag:s16] =	ssyncset.done $0x0  }
0xb4: {  	[sflag:s16] =	ssyncadd.s32 $0xFFFFFC00  }
0xb5: {  	_ =	swait.ge [sflag:s17], $0x400  }
0xb6: {  	[sflag:s17] =	ssyncset.done $0x0  }
0xb7: {  	[sflag:s17] =	ssyncadd.s32 $0xFFFFFC00  }
0xb8: {  	_ =	swait.ge [sflag:s17], $0x400  }
0xb9: {  	[sflag:s17] =	ssyncset.done $0x0  }
0xba: {  	[sflag:s17] =	ssyncadd.s32 $0xFFFFFC00  }
0xbb: {  	_ =	swait.ge [sflag:s17], $0x400  }
0xbc: {  	[sflag:s17] =	ssyncset.done $0x0  }
0xbd: {  	[sflag:s17] =	ssyncadd.s32 $0xFFFFFC00  }
0xbe: {  	_ =	swait.ge [sflag:s17], $0x400  }
0xbf: {  	[sflag:s17] =	ssyncset.done $0x0  }
0xc0: {  	[sflag:s17] =	ssyncadd.s32 $0xFFFFFC00  }
0xc1: {  	_ =	swait.ge [sflag:s18], $0x400  }
0xc2: {  	[sflag:s18] =	ssyncset.done $0x0  }
0xc3: {  	[sflag:s18] =	ssyncadd.s32 $0xFFFFFC00  }
0xc4: {  	_ =	swait.ge [sflag:s18], $0x400  }
0xc5: {  	[sflag:s18] =	ssyncset.done $0x0  }
0xc6: {  	s19 =	sadd.s32 $0x1, s19;
	[sflag:s18] =	ssyncadd.s32 $0xFFFFFC00  }
0xc7: {  	p0 =	sne.s32 s19, s10;
	_ =	swait.ge [sflag:s18], $0x400  }
.Ltmp3:
0xc8: {  	[sflag:s18] =	ssyncset.done $0x0;
	(pc) =	sbr.rel @p0 .LBB2_1-.Ltmp3, $4  }
0xc9: {  	[sflag:s18] =	ssyncadd.s32 $0xFFFFFC00  }
0xca: {  	_ =	swait.ge [sflag:s18], $0x400  }
0xcb: {  	[sflag:s18] =	ssyncset.done $0x0  }
0xcc: {  	[sflag:s18] =	ssyncadd.s32 $0xFFFFFC00  }
0xcd: {  	_ =	sfence.sel $0x180000  }
0xce: {  	[bflag:$0x0] =	sbarrier.arrive $0xFFFF  }
0xcf: {  	_ =	strace $0x90000047  }
0xd0: {  	s0 =	stileid.u32;
	[bflag:$0x2] =	sbarrier.arrive $0xFFFF  }
0xd1: {  	p0 =	sne.s32 s0, $0x0;
	s0 =	rddreg [dreg:$0x2]  }
0xd2: {  	s0 =	sadd.s32 @!p0 $0x100000, s0  }
0xd3: {  	[sflag:s0] =	ssyncadd.tile.s32 @!p0 $0x1;
	_ =	shalt  }
.Lfunc_end2:
_tile_overlayer_lowered:
.L_overlay_start_2:
0xd4: {  	(tag) =	ssettag $0x2  }
0xd5: {  	s0 =	rddreg [dreg:$0x0];
	s2 =	stileid.u32  }
0xd6: {  	s1 =	rddreg [dreg:$0x1];
	p0 =	sne.s32 s2, $0x0  }
0xd7: {  	s3 =	rddreg [dreg:$0x2];
	[bflag:$0x3] =	sbarrier.arrive $0xFFFF;
	s2 =	simm.s32 @!p0 $0x1C07  }
0xd8: {  	[timem:s3], [sflag:s2] =	dma.local @!p0 [hbm:s0], s1  }
0xd9: {  	s0 =	simm.s32 @!p0 $0x7  }
0xda: {  	_ =	swait.ge @!p0 [sflag:s0], s1  }
0xdb: {  	s1 =	ssub.s32 @!p0 $0x0, s1;
	[sflag:s0] =	ssyncset.done @!p0 $0x0  }
0xdc: {  	[sflag:s0] =	ssyncadd.s32 @!p0 s1  }
0xdd: {  	[bflag:$0x3] =	sbarrier.arrive $0xFFFF  }
0xde: {  	_ =	shalt  }

</sc_bundles>
